<compile_context>
chip_gen: v7x
topology: tpu7x:2x2x1
jax: 0.10.2.dev20260603
libtpu: 0.0.44.dev20260713+nightly
codegen_flags: <defaults>
</compile_context>

<pallas_src>
import jax
import jax.numpy as jnp
from jax import lax
from jax.experimental import pallas as pl
from jax.experimental.pallas import tpu as pltpu

_BETA = 64
_ALPHA = 2
_G = 8


def _lga_block_kernel(kxyz_ref, lc_ref, kx_ref, sph_ref, sel_ref,
                      pct_ref, dir_ref, feat_ref):
    kxyzr = kxyz_ref[...]
    lcr = lc_ref[...]
    sph = sph_ref[...]
    sel = sel_ref[...]
    R = kxyzr.shape[0]
    T = lcr.shape[0]
    K = R // T
    C = kx_ref.shape[1]

    rel = kxyzr - jnp.broadcast_to(lcr[:, None, :], (T, K, 3)).reshape(R, 3)
    r0 = rel[:, 0:1]
    r1 = rel[:, 1:2]
    r2 = rel[:, 2:3]
    dist = jnp.sqrt(r0 * r0 + r1 * r1 + r2 * r2)
    den = dist + 1e-08
    nrm = (rel / den).astype(jnp.bfloat16)

    u = jax.lax.dot_general(
        nrm, sph.astype(jnp.bfloat16),
        (((1,), (0,)), ((), ())),
        preferred_element_type=jnp.float32,
    )

    umax = jnp.max(u, axis=-1, keepdims=True)
    lane_a = lax.broadcasted_iota(jnp.int32, (R, _BETA), 1)
    idx = jnp.min(jnp.where(u >= umax, lane_a, _BETA), axis=-1, keepdims=True)
    ohb = (lane_a == idx).astype(jnp.bfloat16)

    counts = jax.lax.dot_general(
        sel, ohb,
        (((1,), (0,)), ((), ())),
        preferred_element_type=jnp.float32,
    )
    bin_iota = lax.broadcasted_iota(jnp.int32, (T, _BETA), 1)
    counts = counts - (bin_iota == 0).astype(jnp.float32)
    thr = jnp.where(counts > _ALPHA, counts, 0.0)
    pct_ref[...] = thr / (jnp.sum(thr, axis=-1, keepdims=True) + 1e-08)

    cden = counts + 1e-08
    oh3 = ohb.astype(jnp.float32).reshape(T, K, _BETA)
    relb = rel.astype(jnp.bfloat16).astype(jnp.float32)
    for s in range(3):
        rs3 = relb[:, s:s + 1].reshape(T, K, 1)
        dir_ref[:, s, :] = jnp.sum(oh3 * rs3, axis=1) / cden

    kxb = kx_ref[...].astype(jnp.bfloat16)

    GK = _G * K
    GA = _G * _BETA
    col_iota = lax.broadcasted_iota(jnp.int32, (GK, GA), 1)
    row_off = (lax.broadcasted_iota(jnp.int32, (GK, 1), 0) // K) * _BETA

    ngroups = T // _G
    for g in range(ngroups):
        idx_g = idx[g * GK:(g + 1) * GK, :]
        ohbd = jnp.where(
            col_iota == row_off + idx_g, 1.0, 0.0
        ).astype(jnp.bfloat16)
        feats = jax.lax.dot_general(
            ohbd, kxb[g * GK:(g + 1) * GK, :],
            (((0,), (0,)), ((), ())),
            preferred_element_type=jnp.float32,
        )
        fden = jnp.sum(feats, axis=-1, keepdims=True) + 1e-09
        feat_ref[g * GA:(g + 1) * GA, :] = feats / fden


def _lga_half(kxyz, lc, kx, sph, sel, M, K, C, T):
    R = T * K
    return pl.pallas_call(
        _lga_block_kernel,
        grid=(M // T,),
        in_specs=[
            pl.BlockSpec((R, 3), lambda i: (i, 0)),
            pl.BlockSpec((T, 3), lambda i: (i, 0)),
            pl.BlockSpec((R, C), lambda i: (i, 0)),
            pl.BlockSpec((3, _BETA), lambda i: (0, 0)),
            pl.BlockSpec((T, R), lambda i: (0, 0)),
        ],
        out_specs=[
            pl.BlockSpec((T, _BETA), lambda i: (i, 0)),
            pl.BlockSpec((T, 3, _BETA), lambda i: (i, 0, 0)),
            pl.BlockSpec((T * _BETA, C), lambda i: (i, 0)),
        ],
        out_shape=[
            jax.ShapeDtypeStruct((M, _BETA), jnp.float32),
            jax.ShapeDtypeStruct((M, 3, _BETA), jnp.float32),
            jax.ShapeDtypeStruct((M * _BETA, C), jnp.float32),
        ],
        compiler_params=pltpu.CompilerParams(
            dimension_semantics=("arbitrary",),
        ),
    )(kxyz, lc, kx, sph, sel)


def kernel(lc_xyz, lc_x, knn_xyz, knn_x, sphere_points):
    B, N, K, C = knn_x.shape
    T = 128
    R = T * K
    H = B // 2
    M2 = H * N
    sph = sphere_points.T
    sel = (jnp.arange(T)[:, None] == (jnp.arange(R) // K)[None, :]).astype(jnp.bfloat16)

    pcts, dirss, feats = [], [], []
    for h in range(2):
        bsl = slice(h * H, (h + 1) * H)
        pct, dirs, feat = _lga_half(
            knn_xyz[bsl].reshape(M2 * K, 3),
            lc_xyz[bsl].reshape(M2, 3),
            knn_x[bsl].reshape(M2 * K, C),
            sph, sel, M2, K, C, T,
        )
        pcts.append(pct.reshape(H, N, _BETA))
        dirss.append(jnp.transpose(dirs.reshape(H, N, 3, _BETA), (0, 1, 3, 2)))
        feats.append(feat.reshape(H, N, _BETA, C))

    direction_percentage = jnp.concatenate(pcts, axis=0)
    avg_direction = jnp.concatenate(dirss, axis=0)
    avg_features = jnp.concatenate(feats, axis=0)
    k_influence = jnp.ones((B, N), jnp.float32)
    return (knn_x, direction_percentage, avg_direction, avg_features, k_influence)

# --- scband reference (transcript-rebuilt; emitter-appended) ---
"""Pipeline reference for scband-lga-49331994362180 (READ-ONLY COPY).

The authoritative reference and input builder live on the scoring server;
editing this copy changes nothing except your own understanding.
"""

import jax, jax.numpy as jnp
import numpy as np
import math

BETA = 64
ALPHA = 2

def fibonacci_sphere(samples):
    points = []
    phi = math.pi * (3.0 - math.sqrt(5.0))
    for i in range(samples):
        y = 1 - i / float(samples - 1) * 2
        radius = math.sqrt(1 - y * y)
        theta = phi * i
        points.append([math.cos(theta) * radius, y, math.sin(theta) * radius])
    return jnp.asarray(np.array(points, dtype=np.float32))

def setup_inputs(seed: int = 0):
    key = jax.random.key(seed)
    k1, k2, k3, k4 = jax.random.split(key, 4)
    B, N, K, C = 4, 4096, 16, 64
    return {
        'lc_xyz': jax.random.normal(k1, (B, N, 3), dtype=jnp.float32),
        'lc_x': jax.random.normal(k2, (B, N, C), dtype=jnp.float32),
        'knn_xyz': jax.random.normal(k3, (B, N, K, 3), dtype=jnp.float32),
        'knn_x': jax.random.normal(k4, (B, N, K, C), dtype=jnp.float32),
        'sphere_points': fibonacci_sphere(BETA),
    }

def reference(lc_xyz, lc_x, knn_xyz, knn_x, sphere_points):
    # center the neighborhoods
    rel = knn_xyz - lc_xyz[:, :, None, :]
    std_xyz = jnp.std(rel)  # computed in original but unused
    xyz_distance = jnp.sqrt(rel[..., 0] ** 2 + rel[..., 1] ** 2 + rel[..., 2] ** 2)
    norm_knn_xyz = rel / (xyz_distance[..., None] + 1e-08)
    # similarity of each neighbor direction to each sphere codebook direction
    simm = jnp.einsum('bnks,as->bnka', norm_knn_xyz, sphere_points)
    simm_max_idx = jnp.argmax(simm, axis=-1)  # [B,N,K]
    oh = jax.nn.one_hot(simm_max_idx, BETA, dtype=rel.dtype)  # [B,N,K,BETA]
    # direction counts (subtract 1 at bin 0, matching the torch loop)
    direction_counts = jnp.sum(oh, axis=2)
    direction_counts = direction_counts.at[:, :, 0].add(-1.0)
    # scatter_add of relative coords into the assigned sphere bins
    sum_direction = jnp.einsum('bnka,bnks->bnas', oh, rel)
    avg_direction = sum_direction / (direction_counts + 1e-08)[..., None]
    # scatter_add of features into the assigned sphere bins
    sum_features = jnp.einsum('bnka,bnkc->bnac', oh, knn_x)
    # normalize(): feature dim C=64 <= 100 -> sum-based normalization branch
    avg_features = sum_features / (jnp.sum(sum_features, axis=-1, keepdims=True) + 1e-09)
    k_influence = jnp.ones(rel.shape[:2], dtype=rel.dtype)
    counts_thr = jnp.where(direction_counts > ALPHA, direction_counts, 0.0)
    direction_percentage = counts_thr / (jnp.sum(counts_thr, axis=-1, keepdims=True) + 1e-08)
    return (knn_x, direction_percentage, avg_direction, avg_features, k_influence)

if __name__ == "__main__":
    import jax
    _d = setup_inputs()
    print(jax.jit(kernel)(*tuple(_d.values())))

</pallas_src>

<mosaic_0001>
module attributes {stable_mosaic.version = 14 : i64} {
  func.func @_lga_block_kernel(%arg0: i32, %arg1: memref<2048x3xf32, #tpu.memory_space<vmem>>, %arg2: memref<128x3xf32, #tpu.memory_space<vmem>>, %arg3: memref<2048x64xf32, #tpu.memory_space<vmem>>, %arg4: memref<3x64xf32, #tpu.memory_space<vmem>>, %arg5: memref<128x2048xbf16, #tpu.memory_space<vmem>>, %arg6: memref<128x64xf32, #tpu.memory_space<vmem>>, %arg7: memref<128x3x64xf32, #tpu.memory_space<vmem>>, %arg8: memref<8192x64xf32, #tpu.memory_space<vmem>>) attributes {dimension_semantics = [#tpu.dimension_semantics<arbitrary>], iteration_bounds = array<i64: 64>, scalar_prefetch = 0 : i64, scratch_operands = 0 : i64, tpu.core_type = #tpu.core_type<tc>, window_params = [{transform_indices = @transform_0, window_bounds = array<i64: 2048, 3>}, {transform_indices = @transform_1, window_bounds = array<i64: 128, 3>}, {transform_indices = @transform_2, window_bounds = array<i64: 2048, 64>}, {pipeline_mode = #tpu.pipeline_mode<synchronous>, transform_indices = @transform_3, window_bounds = array<i64: 3, 64>}, {pipeline_mode = #tpu.pipeline_mode<synchronous>, transform_indices = @transform_4, window_bounds = array<i64: 128, 2048>}, {transform_indices = @transform_5, window_bounds = array<i64: 128, 64>}, {transform_indices = @transform_6, window_bounds = array<i64: 128, 3, 64>}, {transform_indices = @transform_7, window_bounds = array<i64: 8192, 64>}]} {
    %get3A = arith.constant 0 : index
    %get3A_0 = arith.constant 0 : index
    %get3A_1 = vector.load %arg1[%get3A, %get3A_0] : memref<2048x3xf32, #tpu.memory_space<vmem>>, vector<2048x3xf32>
    %get3A_2 = arith.constant 0 : index
    %get3A_3 = arith.constant 0 : index
    %get3A_4 = vector.load %arg2[%get3A_2, %get3A_3] : memref<128x3xf32, #tpu.memory_space<vmem>>, vector<128x3xf32>
    %get3A_5 = arith.constant 0 : index
    %get3A_6 = arith.constant 0 : index
    %get3A_7 = vector.load %arg4[%get3A_5, %get3A_6] : memref<3x64xf32, #tpu.memory_space<vmem>>, vector<3x64xf32>
    %get3A_8 = arith.constant 0 : index
    %get3A_9 = arith.constant 0 : index
    %get3A_10 = vector.load %arg5[%get3A_8, %get3A_9] : memref<128x2048xbf16, #tpu.memory_space<vmem>>, vector<128x2048xbf16>
    %broadcast_in_dim3A = vector.shape_cast %get3A_4 : vector<128x3xf32> to vector<128x1x3xf32>
    %broadcast_in_dim3A_11 = vector.shape_cast %broadcast_in_dim3A : vector<128x1x3xf32> to vector<128x1x3xf32>
    %broadcast_in_dim3A_12 = vector.broadcast %broadcast_in_dim3A_11 : vector<128x1x3xf32> to vector<128x16x3xf32>
    %reshape3A = vector.shape_cast %broadcast_in_dim3A_12 : vector<128x16x3xf32> to vector<2048x3xf32>
    %sub3A = arith.subf %get3A_1, %reshape3A : vector<2048x3xf32>
    %slice3A = vector.extract_strided_slice %sub3A {offsets = [0, 0], sizes = [2048, 1], strides = [1, 1]} : vector<2048x3xf32> to vector<2048x1xf32>
    %slice3A_13 = vector.extract_strided_slice %sub3A {offsets = [0, 1], sizes = [2048, 1], strides = [1, 1]} : vector<2048x3xf32> to vector<2048x1xf32>
    %slice3A_14 = vector.extract_strided_slice %sub3A {offsets = [0, 2], sizes = [2048, 1], strides = [1, 1]} : vector<2048x3xf32> to vector<2048x1xf32>
    %mul3A = arith.mulf %slice3A, %slice3A : vector<2048x1xf32>
    %mul3A_15 = arith.mulf %slice3A_13, %slice3A_13 : vector<2048x1xf32>
    %add3A = arith.addf %mul3A, %mul3A_15 : vector<2048x1xf32>
    %mul3A_16 = arith.mulf %slice3A_14, %slice3A_14 : vector<2048x1xf32>
    %add3A_17 = arith.addf %add3A, %mul3A_16 : vector<2048x1xf32>
    %sqrt3A = math.sqrt %add3A_17 : vector<2048x1xf32>
    %add3A_18 = arith.constant 9.99999993E-9 : f32
    %add3A_19 = vector.broadcast %add3A_18 : f32 to vector<2048x1xf32>
    %add3A_20 = arith.addf %sqrt3A, %add3A_19 : vector<2048x1xf32>
    %div3A = vector.broadcast %add3A_20 : vector<2048x1xf32> to vector<2048x3xf32>
    %div3A_21 = arith.divf %sub3A, %div3A : vector<2048x3xf32>
    %convert_element_type3A = arith.truncf %div3A_21 : vector<2048x3xf32> to vector<2048x3xbf16>
    %convert_element_type3A_22 = arith.truncf %get3A_7 : vector<3x64xf32> to vector<3x64xbf16>
    %dot_general3A = arith.constant dense<0.000000e+00> : vector<2048x64xf32>
    %dot_general3A_23 = tpu.matmul %convert_element_type3A, %convert_element_type3A_22, %dot_general3A {dimension_numbers = #tpu.dot_dimension_numbers<[1], [0], [0], [1], [0, 0, 1, 1], [], []>, transpose_lhs_hint = false} : vector<2048x3xbf16>, vector<3x64xbf16>, vector<2048x64xf32> -> vector<2048x64xf32>
    %reduce_max3A = arith.constant dense<0xFF800000> : vector<2048xf32>
    %reduce_max3A_24 = vector.multi_reduction <maximumf>, %dot_general3A_23, %reduce_max3A [1] : vector<2048x64xf32> to vector<2048xf32>
    %broadcast_in_dim3A_25 = vector.shape_cast %reduce_max3A_24 : vector<2048xf32> to vector<2048x1xf32>
    %iota3A = tpu.iota {dimensions = array<i32: 1>} : vector<2048x64xi32>
    %ge3A = vector.broadcast %broadcast_in_dim3A_25 : vector<2048x1xf32> to vector<2048x64xf32>
    %ge3A_26 = arith.cmpf oge, %dot_general3A_23, %ge3A : vector<2048x64xf32>
    %jit3A = arith.constant 64 : i32
    %broadcast_in_dim3A_27 = vector.broadcast %jit3A : i32 to vector<2048x64xi32>
    %select_n3A = arith.select %ge3A_26, %iota3A, %broadcast_in_dim3A_27 : vector<2048x64xi1>, vector<2048x64xi32>
    %reduce_min3A = arith.constant dense<2147483647> : vector<2048xi32>
    %reduce_min3A_28 = vector.multi_reduction <minsi>, %select_n3A, %reduce_min3A [1] : vector<2048x64xi32> to vector<2048xi32>
    %broadcast_in_dim3A_29 = vector.shape_cast %reduce_min3A_28 : vector<2048xi32> to vector<2048x1xi32>
    %eq3A = vector.broadcast %broadcast_in_dim3A_29 : vector<2048x1xi32> to vector<2048x64xi32>
    %eq3A_30 = arith.cmpi eq, %iota3A, %eq3A : vector<2048x64xi32>
    %convert_element_type3A_31 = arith.extui %eq3A_30 : vector<2048x64xi1> to vector<2048x64xi32>
    %convert_element_type3A_32 = arith.sitofp %convert_element_type3A_31 : vector<2048x64xi32> to vector<2048x64xf32>
    %convert_element_type3A_33 = arith.truncf %convert_element_type3A_32 : vector<2048x64xf32> to vector<2048x64xbf16>
    %dot_general3A_34 = arith.constant dense<0.000000e+00> : vector<128x64xf32>
    %dot_general3A_35 = tpu.matmul %get3A_10, %convert_element_type3A_33, %dot_general3A_34 {dimension_numbers = #tpu.dot_dimension_numbers<[1], [0], [0], [1], [0, 0, 1, 1], [], []>, transpose_lhs_hint = false} : vector<128x2048xbf16>, vector<2048x64xbf16>, vector<128x64xf32> -> vector<128x64xf32>
    %iota3A_36 = tpu.iota {dimensions = array<i32: 1>} : vector<128x64xi32>
    %eq3A_37 = arith.constant 0 : i32
    %eq3A_38 = vector.broadcast %eq3A_37 : i32 to vector<128x64xi32>
    %eq3A_39 = arith.cmpi eq, %iota3A_36, %eq3A_38 : vector<128x64xi32>
    %convert_element_type3A_40 = arith.extui %eq3A_39 : vector<128x64xi1> to vector<128x64xi32>
    %convert_element_type3A_41 = arith.sitofp %convert_element_type3A_40 : vector<128x64xi32> to vector<128x64xf32>
    %sub3A_42 = arith.subf %dot_general3A_35, %convert_element_type3A_41 : vector<128x64xf32>
    %gt3A = arith.constant 2.000000e+00 : f32
    %gt3A_43 = vector.broadcast %gt3A : f32 to vector<128x64xf32>
    %gt3A_44 = arith.cmpf ogt, %sub3A_42, %gt3A_43 : vector<128x64xf32>
    %jit3A_45 = arith.constant 0.000000e+00 : f32
    %broadcast_in_dim3A_46 = vector.broadcast %jit3A_45 : f32 to vector<128x64xf32>
    %select_n3A_47 = arith.select %gt3A_44, %sub3A_42, %broadcast_in_dim3A_46 : vector<128x64xi1>, vector<128x64xf32>
    %reduce_sum3A = arith.constant dense<0.000000e+00> : vector<128xf32>
    %reduce_sum3A_48 = vector.multi_reduction <add>, %select_n3A_47, %reduce_sum3A [1] : vector<128x64xf32> to vector<128xf32>
    %broadcast_in_dim3A_49 = vector.shape_cast %reduce_sum3A_48 : vector<128xf32> to vector<128x1xf32>
    %add3A_50 = arith.constant 9.99999993E-9 : f32
    %add3A_51 = vector.broadcast %add3A_50 : f32 to vector<128x1xf32>
    %add3A_52 = arith.addf %broadcast_in_dim3A_49, %add3A_51 : vector<128x1xf32>
    %div3A_53 = vector.broadcast %add3A_52 : vector<128x1xf32> to vector<128x64xf32>
    %div3A_54 = arith.divf %select_n3A_47, %div3A_53 : vector<128x64xf32>
    %swap3A = arith.constant 0 : index
    %swap3A_55 = arith.constant 0 : index
    %swap3A_56 = vector.load %arg6[%swap3A, %swap3A_55] : memref<128x64xf32, #tpu.memory_space<vmem>>, vector<128x64xf32>
    tpu.vector_store %arg6[%swap3A, %swap3A_55], %div3A_54 {strides = array<i32>} : memref<128x64xf32, #tpu.memory_space<vmem>>, vector<128x64xf32>,
    %add3A_57 = arith.constant 9.99999993E-9 : f32
    %add3A_58 = vector.broadcast %add3A_57 : f32 to vector<128x64xf32>
    %add3A_59 = arith.addf %sub3A_42, %add3A_58 : vector<128x64xf32>
    %convert_element_type3A_60 = arith.extf %convert_element_type3A_33 : vector<2048x64xbf16> to vector<2048x64xf32>
    %reshape3A_61 = vector.shape_cast %convert_element_type3A_60 : vector<2048x64xf32> to vector<128x16x64xf32>
    %convert_element_type3A_62 = arith.truncf %sub3A : vector<2048x3xf32> to vector<2048x3xbf16>
    %convert_element_type3A_63 = arith.extf %convert_element_type3A_62 : vector<2048x3xbf16> to vector<2048x3xf32>
    %slice3A_64 = vector.extract_strided_slice %convert_element_type3A_63 {offsets = [0, 0], sizes = [2048, 1], strides = [1, 1]} : vector<2048x3xf32> to vector<2048x1xf32>
    %reshape3A_65 = vector.shape_cast %slice3A_64 : vector<2048x1xf32> to vector<128x16x1xf32>
    %mul3A_66 = vector.broadcast %reshape3A_65 : vector<128x16x1xf32> to vector<128x16x64xf32>
    %mul3A_67 = arith.mulf %reshape3A_61, %mul3A_66 : vector<128x16x64xf32>
    %reduce_sum3A_68 = arith.constant dense<0.000000e+00> : vector<128x64xf32>
    %reduce_sum3A_69 = vector.multi_reduction <add>, %mul3A_67, %reduce_sum3A_68 [1] : vector<128x16x64xf32> to vector<128x64xf32>
    %div3A_70 = arith.divf %reduce_sum3A_69, %add3A_59 : vector<128x64xf32>
    %swap3A_71 = arith.constant 0 : index
    %swap3A_72 = arith.constant 0 : index
    %swap3A_73 = arith.constant 0 : index
    %swap3A_74 = vector.load %arg7[%swap3A_71, %swap3A_72, %swap3A_73] : memref<128x3x64xf32, #tpu.memory_space<vmem>>, vector<128x1x64xf32>
    %swap3A_75 = vector.shape_cast %swap3A_74 : vector<128x1x64xf32> to vector<128x64xf32>
    %swap3A_76 = vector.shape_cast %div3A_70 : vector<128x64xf32> to vector<128x1x64xf32>
    tpu.vector_store %arg7[%swap3A_71, %swap3A_72, %swap3A_73], %swap3A_76 {strides = array<i32>} : memref<128x3x64xf32, #tpu.memory_space<vmem>>, vector<128x1x64xf32>,
    %slice3A_77 = vector.extract_strided_slice %convert_element_type3A_63 {offsets = [0, 1], sizes = [2048, 1], strides = [1, 1]} : vector<2048x3xf32> to vector<2048x1xf32>
    %reshape3A_78 = vector.shape_cast %slice3A_77 : vector<2048x1xf32> to vector<128x16x1xf32>
    %mul3A_79 = vector.broadcast %reshape3A_78 : vector<128x16x1xf32> to vector<128x16x64xf32>
    %mul3A_80 = arith.mulf %reshape3A_61, %mul3A_79 : vector<128x16x64xf32>
    %reduce_sum3A_81 = arith.constant dense<0.000000e+00> : vector<128x64xf32>
    %reduce_sum3A_82 = vector.multi_reduction <add>, %mul3A_80, %reduce_sum3A_81 [1] : vector<128x16x64xf32> to vector<128x64xf32>
    %div3A_83 = arith.divf %reduce_sum3A_82, %add3A_59 : vector<128x64xf32>
    %swap3A_84 = arith.constant 0 : index
    %swap3A_85 = arith.constant 1 : index
    %swap3A_86 = arith.constant 0 : index
    %swap3A_87 = vector.load %arg7[%swap3A_84, %swap3A_85, %swap3A_86] : memref<128x3x64xf32, #tpu.memory_space<vmem>>, vector<128x1x64xf32>
    %swap3A_88 = vector.shape_cast %swap3A_87 : vector<128x1x64xf32> to vector<128x64xf32>
    %swap3A_89 = vector.shape_cast %div3A_83 : vector<128x64xf32> to vector<128x1x64xf32>
    tpu.vector_store %arg7[%swap3A_84, %swap3A_85, %swap3A_86], %swap3A_89 {strides = array<i32>} : memref<128x3x64xf32, #tpu.memory_space<vmem>>, vector<128x1x64xf32>,
    %slice3A_90 = vector.extract_strided_slice %convert_element_type3A_63 {offsets = [0, 2], sizes = [2048, 1], strides = [1, 1]} : vector<2048x3xf32> to vector<2048x1xf32>
    %reshape3A_91 = vector.shape_cast %slice3A_90 : vector<2048x1xf32> to vector<128x16x1xf32>
    %mul3A_92 = vector.broadcast %reshape3A_91 : vector<128x16x1xf32> to vector<128x16x64xf32>
    %mul3A_93 = arith.mulf %reshape3A_61, %mul3A_92 : vector<128x16x64xf32>
    %reduce_sum3A_94 = arith.constant dense<0.000000e+00> : vector<128x64xf32>
    %reduce_sum3A_95 = vector.multi_reduction <add>, %mul3A_93, %reduce_sum3A_94 [1] : vector<128x16x64xf32> to vector<128x64xf32>
    %div3A_96 = arith.divf %reduce_sum3A_95, %add3A_59 : vector<128x64xf32>
    %swap3A_97 = arith.constant 0 : index
    %swap3A_98 = arith.constant 2 : index
    %swap3A_99 = arith.constant 0 : index
    %swap3A_100 = vector.load %arg7[%swap3A_97, %swap3A_98, %swap3A_99] : memref<128x3x64xf32, #tpu.memory_space<vmem>>, vector<128x1x64xf32>
    %swap3A_101 = vector.shape_cast %swap3A_100 : vector<128x1x64xf32> to vector<128x64xf32>
    %swap3A_102 = vector.shape_cast %div3A_96 : vector<128x64xf32> to vector<128x1x64xf32>
    tpu.vector_store %arg7[%swap3A_97, %swap3A_98, %swap3A_99], %swap3A_102 {strides = array<i32>} : memref<128x3x64xf32, #tpu.memory_space<vmem>>, vector<128x1x64xf32>,
    %get3A_103 = arith.constant 0 : index
    %get3A_104 = arith.constant 0 : index
    %get3A_105 = vector.load %arg3[%get3A_103, %get3A_104] : memref<2048x64xf32, #tpu.memory_space<vmem>>, vector<2048x64xf32>
    %convert_element_type3A_106 = arith.truncf %get3A_105 : vector<2048x64xf32> to vector<2048x64xbf16>
    %iota3A_107 = tpu.iota {dimensions = array<i32: 1>} : vector<128x512xi32>
    %iota3A_108 = tpu.iota {dimensions = array<i32: 0>} : vector<128x1xi32>
    %jit3A_109 = arith.constant 16 : i32
    %div3A_110 = vector.broadcast %jit3A_109 : i32 to vector<128x1xi32>
    %div3A_111 = arith.divsi %iota3A_108, %div3A_110 : vector<128x1xi32>
    %sign3A = arith.constant 0 : i32
    %sign3A_112 = vector.broadcast %sign3A : i32 to vector<128x1xi32>
    %sign3A_113 = arith.cmpi sgt, %iota3A_108, %sign3A_112 : vector<128x1xi32>
    %sign3A_114 = arith.extui %sign3A_113 : vector<128x1xi1> to vector<128x1xi32>
    %sign3A_115 = arith.constant 0 : i32
    %sign3A_116 = vector.broadcast %sign3A_115 : i32 to vector<128x1xi32>
    %sign3A_117 = arith.cmpi slt, %iota3A_108, %sign3A_116 : vector<128x1xi32>
    %sign3A_118 = arith.extui %sign3A_117 : vector<128x1xi1> to vector<128x1xi32>
    %sign3A_119 = arith.subi %sign3A_114, %sign3A_118 : vector<128x1xi32>
    %sign3A_120 = arith.constant 0 : i32
    %sign3A_121 = arith.cmpi sgt, %jit3A_109, %sign3A_120 : i32
    %sign3A_122 = arith.extui %sign3A_121 : i1 to i32
    %sign3A_123 = arith.constant 0 : i32
    %sign3A_124 = arith.cmpi slt, %jit3A_109, %sign3A_123 : i32
    %sign3A_125 = arith.extui %sign3A_124 : i1 to i32
    %sign3A_126 = arith.subi %sign3A_122, %sign3A_125 : i32
    %ne3A = vector.broadcast %sign3A_126 : i32 to vector<128x1xi32>
    %ne3A_127 = arith.cmpi ne, %sign3A_119, %ne3A : vector<128x1xi32>
    %rem3A = vector.broadcast %jit3A_109 : i32 to vector<128x1xi32>
    %rem3A_128 = arith.remsi %iota3A_108, %rem3A : vector<128x1xi32>
    %ne3A_129 = arith.constant 0 : i32
    %ne3A_130 = vector.broadcast %ne3A_129 : i32 to vector<128x1xi32>
    %ne3A_131 = arith.cmpi ne, %rem3A_128, %ne3A_130 : vector<128x1xi32>
    %and3A = arith.andi %ne3A_127, %ne3A_131 : vector<128x1xi1>
    %sub3A_132 = arith.constant 1 : i32
    %sub3A_133 = vector.broadcast %sub3A_132 : i32 to vector<128x1xi32>
    %sub3A_134 = arith.subi %div3A_111, %sub3A_133 : vector<128x1xi32>
    %select_n3A_135 = arith.select %and3A, %sub3A_134, %div3A_111 : vector<128x1xi1>, vector<128x1xi32>
    %mul3A_136 = arith.constant 64 : i32
    %mul3A_137 = vector.broadcast %mul3A_136 : i32 to vector<128x1xi32>
    %mul3A_138 = arith.muli %select_n3A_135, %mul3A_137 : vector<128x1xi32>
    %slice3A_139 = vector.extract_strided_slice %broadcast_in_dim3A_29 {offsets = [0, 0], sizes = [128, 1], strides = [1, 1]} : vector<2048x1xi32> to vector<128x1xi32>
    %add3A_140 = arith.addi %mul3A_138, %slice3A_139 : vector<128x1xi32>
    %eq3A_141 = vector.broadcast %add3A_140 : vector<128x1xi32> to vector<128x512xi32>
    %eq3A_142 = arith.cmpi eq, %iota3A_107, %eq3A_141 : vector<128x512xi32>
    %jit3A_143 = arith.constant 1.000000e+00 : f32
    %jit3A_144 = arith.constant 0.000000e+00 : f32
    %broadcast_in_dim3A_145 = vector.broadcast %jit3A_143 : f32 to vector<128x512xf32>
    %broadcast_in_dim3A_146 = vector.broadcast %jit3A_144 : f32 to vector<128x512xf32>
    %select_n3A_147 = arith.select %eq3A_142, %broadcast_in_dim3A_145, %broadcast_in_dim3A_146 : vector<128x512xi1>, vector<128x512xf32>
    %convert_element_type3A_148 = arith.truncf %select_n3A_147 : vector<128x512xf32> to vector<128x512xbf16>
    %slice3A_149 = vector.extract_strided_slice %convert_element_type3A_106 {offsets = [0, 0], sizes = [128, 64], strides = [1, 1]} : vector<2048x64xbf16> to vector<128x64xbf16>
    %dot_general3A_150 = arith.constant dense<0.000000e+00> : vector<512x64xf32>
    %dot_general3A_151 = tpu.matmul %convert_element_type3A_148, %slice3A_149, %dot_general3A_150 {dimension_numbers = #tpu.dot_dimension_numbers<[0], [0], [1], [1], [0, 1, 1, 1], [], []>, transpose_lhs_hint = false} : vector<128x512xbf16>, vector<128x64xbf16>, vector<512x64xf32> -> vector<512x64xf32>
    %reduce_sum3A_152 = arith.constant dense<0.000000e+00> : vector<512xf32>
    %reduce_sum3A_153 = vector.multi_reduction <add>, %dot_general3A_151, %reduce_sum3A_152 [1] : vector<512x64xf32> to vector<512xf32>
    %broadcast_in_dim3A_154 = vector.shape_cast %reduce_sum3A_153 : vector<512xf32> to vector<512x1xf32>
    %add3A_155 = arith.constant 9.99999971E-10 : f32
    %add3A_156 = vector.broadcast %add3A_155 : f32 to vector<512x1xf32>
    %add3A_157 = arith.addf %broadcast_in_dim3A_154, %add3A_156 : vector<512x1xf32>
    %div3A_158 = vector.broadcast %add3A_157 : vector<512x1xf32> to vector<512x64xf32>
    %div3A_159 = arith.divf %dot_general3A_151, %div3A_158 : vector<512x64xf32>
    %swap3A_160 = arith.constant 0 : index
    %swap3A_161 = arith.constant 0 : index
    %swap3A_162 = vector.load %arg8[%swap3A_160, %swap3A_161] : memref<8192x64xf32, #tpu.memory_space<vmem>>, vector<512x64xf32>
    tpu.vector_store %arg8[%swap3A_160, %swap3A_161], %div3A_159 {strides = array<i32>} : memref<8192x64xf32, #tpu.memory_space<vmem>>, vector<512x64xf32>,
    %slice3A_163 = vector.extract_strided_slice %broadcast_in_dim3A_29 {offsets = [128, 0], sizes = [128, 1], strides = [1, 1]} : vector<2048x1xi32> to vector<128x1xi32>
    %add3A_164 = arith.addi %mul3A_138, %slice3A_163 : vector<128x1xi32>
    %eq3A_165 = vector.broadcast %add3A_164 : vector<128x1xi32> to vector<128x512xi32>
    %eq3A_166 = arith.cmpi eq, %iota3A_107, %eq3A_165 : vector<128x512xi32>
    %jit3A_167 = arith.constant 1.000000e+00 : f32
    %jit3A_168 = arith.constant 0.000000e+00 : f32
    %broadcast_in_dim3A_169 = vector.broadcast %jit3A_167 : f32 to vector<128x512xf32>
    %broadcast_in_dim3A_170 = vector.broadcast %jit3A_168 : f32 to vector<128x512xf32>
    %select_n3A_171 = arith.select %eq3A_166, %broadcast_in_dim3A_169, %broadcast_in_dim3A_170 : vector<128x512xi1>, vector<128x512xf32>
    %convert_element_type3A_172 = arith.truncf %select_n3A_171 : vector<128x512xf32> to vector<128x512xbf16>
    %slice3A_173 = vector.extract_strided_slice %convert_element_type3A_106 {offsets = [128, 0], sizes = [128, 64], strides = [1, 1]} : vector<2048x64xbf16> to vector<128x64xbf16>
    %dot_general3A_174 = arith.constant dense<0.000000e+00> : vector<512x64xf32>
    %dot_general3A_175 = tpu.matmul %convert_element_type3A_172, %slice3A_173, %dot_general3A_174 {dimension_numbers = #tpu.dot_dimension_numbers<[0], [0], [1], [1], [0, 1, 1, 1], [], []>, transpose_lhs_hint = false} : vector<128x512xbf16>, vector<128x64xbf16>, vector<512x64xf32> -> vector<512x64xf32>
    %reduce_sum3A_176 = arith.constant dense<0.000000e+00> : vector<512xf32>
    %reduce_sum3A_177 = vector.multi_reduction <add>, %dot_general3A_175, %reduce_sum3A_176 [1] : vector<512x64xf32> to vector<512xf32>
    %broadcast_in_dim3A_178 = vector.shape_cast %reduce_sum3A_177 : vector<512xf32> to vector<512x1xf32>
    %add3A_179 = arith.constant 9.99999971E-10 : f32
    %add3A_180 = vector.broadcast %add3A_179 : f32 to vector<512x1xf32>
    %add3A_181 = arith.addf %broadcast_in_dim3A_178, %add3A_180 : vector<512x1xf32>
    %div3A_182 = vector.broadcast %add3A_181 : vector<512x1xf32> to vector<512x64xf32>
    %div3A_183 = arith.divf %dot_general3A_175, %div3A_182 : vector<512x64xf32>
    %swap3A_184 = arith.constant 512 : index
    %swap3A_185 = arith.constant 0 : index
    %swap3A_186 = vector.load %arg8[%swap3A_184, %swap3A_185] : memref<8192x64xf32, #tpu.memory_space<vmem>>, vector<512x64xf32>
    tpu.vector_store %arg8[%swap3A_184, %swap3A_185], %div3A_183 {strides = array<i32>} : memref<8192x64xf32, #tpu.memory_space<vmem>>, vector<512x64xf32>,
    %slice3A_187 = vector.extract_strided_slice %broadcast_in_dim3A_29 {offsets = [256, 0], sizes = [128, 1], strides = [1, 1]} : vector<2048x1xi32> to vector<128x1xi32>
    %add3A_188 = arith.addi %mul3A_138, %slice3A_187 : vector<128x1xi32>
    %eq3A_189 = vector.broadcast %add3A_188 : vector<128x1xi32> to vector<128x512xi32>
    %eq3A_190 = arith.cmpi eq, %iota3A_107, %eq3A_189 : vector<128x512xi32>
    %jit3A_191 = arith.constant 1.000000e+00 : f32
    %jit3A_192 = arith.constant 0.000000e+00 : f32
    %broadcast_in_dim3A_193 = vector.broadcast %jit3A_191 : f32 to vector<128x512xf32>
    %broadcast_in_dim3A_194 = vector.broadcast %jit3A_192 : f32 to vector<128x512xf32>
    %select_n3A_195 = arith.select %eq3A_190, %broadcast_in_dim3A_193, %broadcast_in_dim3A_194 : vector<128x512xi1>, vector<128x512xf32>
    %convert_element_type3A_196 = arith.truncf %select_n3A_195 : vector<128x512xf32> to vector<128x512xbf16>
    %slice3A_197 = vector.extract_strided_slice %convert_element_type3A_106 {offsets = [256, 0], sizes = [128, 64], strides = [1, 1]} : vector<2048x64xbf16> to vector<128x64xbf16>
    %dot_general3A_198 = arith.constant dense<0.000000e+00> : vector<512x64xf32>
    %dot_general3A_199 = tpu.matmul %convert_element_type3A_196, %slice3A_197, %dot_general3A_198 {dimension_numbers = #tpu.dot_dimension_numbers<[0], [0], [1], [1], [0, 1, 1, 1], [], []>, transpose_lhs_hint = false} : vector<128x512xbf16>, vector<128x64xbf16>, vector<512x64xf32> -> vector<512x64xf32>
    %reduce_sum3A_200 = arith.constant dense<0.000000e+00> : vector<512xf32>
    %reduce_sum3A_201 = vector.multi_reduction <add>, %dot_general3A_199, %reduce_sum3A_200 [1] : vector<512x64xf32> to vector<512xf32>
    %broadcast_in_dim3A_202 = vector.shape_cast %reduce_sum3A_201 : vector<512xf32> to vector<512x1xf32>
    %add3A_203 = arith.constant 9.99999971E-10 : f32
    %add3A_204 = vector.broadcast %add3A_203 : f32 to vector<512x1xf32>
    %add3A_205 = arith.addf %broadcast_in_dim3A_202, %add3A_204 : vector<512x1xf32>
    %div3A_206 = vector.broadcast %add3A_205 : vector<512x1xf32> to vector<512x64xf32>
    %div3A_207 = arith.divf %dot_general3A_199, %div3A_206 : vector<512x64xf32>
    %swap3A_208 = arith.constant 1024 : index
    %swap3A_209 = arith.constant 0 : index
    %swap3A_210 = vector.load %arg8[%swap3A_208, %swap3A_209] : memref<8192x64xf32, #tpu.memory_space<vmem>>, vector<512x64xf32>
    tpu.vector_store %arg8[%swap3A_208, %swap3A_209], %div3A_207 {strides = array<i32>} : memref<8192x64xf32, #tpu.memory_space<vmem>>, vector<512x64xf32>,
    %slice3A_211 = vector.extract_strided_slice %broadcast_in_dim3A_29 {offsets = [384, 0], sizes = [128, 1], strides = [1, 1]} : vector<2048x1xi32> to vector<128x1xi32>
    %add3A_212 = arith.addi %mul3A_138, %slice3A_211 : vector<128x1xi32>
    %eq3A_213 = vector.broadcast %add3A_212 : vector<128x1xi32> to vector<128x512xi32>
    %eq3A_214 = arith.cmpi eq, %iota3A_107, %eq3A_213 : vector<128x512xi32>
    %jit3A_215 = arith.constant 1.000000e+00 : f32
    %jit3A_216 = arith.constant 0.000000e+00 : f32
    %broadcast_in_dim3A_217 = vector.broadcast %jit3A_215 : f32 to vector<128x512xf32>
    %broadcast_in_dim3A_218 = vector.broadcast %jit3A_216 : f32 to vector<128x512xf32>
    %select_n3A_219 = arith.select %eq3A_214, %broadcast_in_dim3A_217, %broadcast_in_dim3A_218 : vector<128x512xi1>, vector<128x512xf32>
    %convert_element_type3A_220 = arith.truncf %select_n3A_219 : vector<128x512xf32> to vector<128x512xbf16>
    %slice3A_221 = vector.extract_strided_slice %convert_element_type3A_106 {offsets = [384, 0], sizes = [128, 64], strides = [1, 1]} : vector<2048x64xbf16> to vector<128x64xbf16>
    %dot_general3A_222 = arith.constant dense<0.000000e+00> : vector<512x64xf32>
    %dot_general3A_223 = tpu.matmul %convert_element_type3A_220, %slice3A_221, %dot_general3A_222 {dimension_numbers = #tpu.dot_dimension_numbers<[0], [0], [1], [1], [0, 1, 1, 1], [], []>, transpose_lhs_hint = false} : vector<128x512xbf16>, vector<128x64xbf16>, vector<512x64xf32> -> vector<512x64xf32>
    %reduce_sum3A_224 = arith.constant dense<0.000000e+00> : vector<512xf32>
    %reduce_sum3A_225 = vector.multi_reduction <add>, %dot_general3A_223, %reduce_sum3A_224 [1] : vector<512x64xf32> to vector<512xf32>
    %broadcast_in_dim3A_226 = vector.shape_cast %reduce_sum3A_225 : vector<512xf32> to vector<512x1xf32>
    %add3A_227 = arith.constant 9.99999971E-10 : f32
    %add3A_228 = vector.broadcast %add3A_227 : f32 to vector<512x1xf32>
    %add3A_229 = arith.addf %broadcast_in_dim3A_226, %add3A_228 : vector<512x1xf32>
    %div3A_230 = vector.broadcast %add3A_229 : vector<512x1xf32> to vector<512x64xf32>
    %div3A_231 = arith.divf %dot_general3A_223, %div3A_230 : vector<512x64xf32>
    %swap3A_232 = arith.constant 1536 : index
    %swap3A_233 = arith.constant 0 : index
    %swap3A_234 = vector.load %arg8[%swap3A_232, %swap3A_233] : memref<8192x64xf32, #tpu.memory_space<vmem>>, vector<512x64xf32>
    tpu.vector_store %arg8[%swap3A_232, %swap3A_233], %div3A_231 {strides = array<i32>} : memref<8192x64xf32, #tpu.memory_space<vmem>>, vector<512x64xf32>,
    %slice3A_235 = vector.extract_strided_slice %broadcast_in_dim3A_29 {offsets = [512, 0], sizes = [128, 1], strides = [1, 1]} : vector<2048x1xi32> to vector<128x1xi32>
    %add3A_236 = arith.addi %mul3A_138, %slice3A_235 : vector<128x1xi32>
    %eq3A_237 = vector.broadcast %add3A_236 : vector<128x1xi32> to vector<128x512xi32>
    %eq3A_238 = arith.cmpi eq, %iota3A_107, %eq3A_237 : vector<128x512xi32>
    %jit3A_239 = arith.constant 1.000000e+00 : f32
    %jit3A_240 = arith.constant 0.000000e+00 : f32
    %broadcast_in_dim3A_241 = vector.broadcast %jit3A_239 : f32 to vector<128x512xf32>
    %broadcast_in_dim3A_242 = vector.broadcast %jit3A_240 : f32 to vector<128x512xf32>
    %select_n3A_243 = arith.select %eq3A_238, %broadcast_in_dim3A_241, %broadcast_in_dim3A_242 : vector<128x512xi1>, vector<128x512xf32>
    %convert_element_type3A_244 = arith.truncf %select_n3A_243 : vector<128x512xf32> to vector<128x512xbf16>
    %slice3A_245 = vector.extract_strided_slice %convert_element_type3A_106 {offsets = [512, 0], sizes = [128, 64], strides = [1, 1]} : vector<2048x64xbf16> to vector<128x64xbf16>
    %dot_general3A_246 = arith.constant dense<0.000000e+00> : vector<512x64xf32>
    %dot_general3A_247 = tpu.matmul %convert_element_type3A_244, %slice3A_245, %dot_general3A_246 {dimension_numbers = #tpu.dot_dimension_numbers<[0], [0], [1], [1], [0, 1, 1, 1], [], []>, transpose_lhs_hint = false} : vector<128x512xbf16>, vector<128x64xbf16>, vector<512x64xf32> -> vector<512x64xf32>
    %reduce_sum3A_248 = arith.constant dense<0.000000e+00> : vector<512xf32>
    %reduce_sum3A_249 = vector.multi_reduction <add>, %dot_general3A_247, %reduce_sum3A_248 [1] : vector<512x64xf32> to vector<512xf32>
    %broadcast_in_dim3A_250 = vector.shape_cast %reduce_sum3A_249 : vector<512xf32> to vector<512x1xf32>
    %add3A_251 = arith.constant 9.99999971E-10 : f32
    %add3A_252 = vector.broadcast %add3A_251 : f32 to vector<512x1xf32>
    %add3A_253 = arith.addf %broadcast_in_dim3A_250, %add3A_252 : vector<512x1xf32>
    %div3A_254 = vector.broadcast %add3A_253 : vector<512x1xf32> to vector<512x64xf32>
    %div3A_255 = arith.divf %dot_general3A_247, %div3A_254 : vector<512x64xf32>
    %swap3A_256 = arith.constant 2048 : index
    %swap3A_257 = arith.constant 0 : index
    %swap3A_258 = vector.load %arg8[%swap3A_256, %swap3A_257] : memref<8192x64xf32, #tpu.memory_space<vmem>>, vector<512x64xf32>
    tpu.vector_store %arg8[%swap3A_256, %swap3A_257], %div3A_255 {strides = array<i32>} : memref<8192x64xf32, #tpu.memory_space<vmem>>, vector<512x64xf32>,
    %slice3A_259 = vector.extract_strided_slice %broadcast_in_dim3A_29 {offsets = [640, 0], sizes = [128, 1], strides = [1, 1]} : vector<2048x1xi32> to vector<128x1xi32>
    %add3A_260 = arith.addi %mul3A_138, %slice3A_259 : vector<128x1xi32>
    %eq3A_261 = vector.broadcast %add3A_260 : vector<128x1xi32> to vector<128x512xi32>
    %eq3A_262 = arith.cmpi eq, %iota3A_107, %eq3A_261 : vector<128x512xi32>
    %jit3A_263 = arith.constant 1.000000e+00 : f32
    %jit3A_264 = arith.constant 0.000000e+00 : f32
    %broadcast_in_dim3A_265 = vector.broadcast %jit3A_263 : f32 to vector<128x512xf32>
    %broadcast_in_dim3A_266 = vector.broadcast %jit3A_264 : f32 to vector<128x512xf32>
    %select_n3A_267 = arith.select %eq3A_262, %broadcast_in_dim3A_265, %broadcast_in_dim3A_266 : vector<128x512xi1>, vector<128x512xf32>
    %convert_element_type3A_268 = arith.truncf %select_n3A_267 : vector<128x512xf32> to vector<128x512xbf16>
    %slice3A_269 = vector.extract_strided_slice %convert_element_type3A_106 {offsets = [640, 0], sizes = [128, 64], strides = [1, 1]} : vector<2048x64xbf16> to vector<128x64xbf16>
    %dot_general3A_270 = arith.constant dense<0.000000e+00> : vector<512x64xf32>
    %dot_general3A_271 = tpu.matmul %convert_element_type3A_268, %slice3A_269, %dot_general3A_270 {dimension_numbers = #tpu.dot_dimension_numbers<[0], [0], [1], [1], [0, 1, 1, 1], [], []>, transpose_lhs_hint = false} : vector<128x512xbf16>, vector<128x64xbf16>, vector<512x64xf32> -> vector<512x64xf32>
    %reduce_sum3A_272 = arith.constant dense<0.000000e+00> : vector<512xf32>
    %reduce_sum3A_273 = vector.multi_reduction <add>, %dot_general3A_271, %reduce_sum3A_272 [1] : vector<512x64xf32> to vector<512xf32>
    %broadcast_in_dim3A_274 = vector.shape_cast %reduce_sum3A_273 : vector<512xf32> to vector<512x1xf32>
    %add3A_275 = arith.constant 9.99999971E-10 : f32
    %add3A_276 = vector.broadcast %add3A_275 : f32 to vector<512x1xf32>
    %add3A_277 = arith.addf %broadcast_in_dim3A_274, %add3A_276 : vector<512x1xf32>
    %div3A_278 = vector.broadcast %add3A_277 : vector<512x1xf32> to vector<512x64xf32>
    %div3A_279 = arith.divf %dot_general3A_271, %div3A_278 : vector<512x64xf32>
    %swap3A_280 = arith.constant 2560 : index
    %swap3A_281 = arith.constant 0 : index
    %swap3A_282 = vector.load %arg8[%swap3A_280, %swap3A_281] : memref<8192x64xf32, #tpu.memory_space<vmem>>, vector<512x64xf32>
    tpu.vector_store %arg8[%swap3A_280, %swap3A_281], %div3A_279 {strides = array<i32>} : memref<8192x64xf32, #tpu.memory_space<vmem>>, vector<512x64xf32>,
    %slice3A_283 = vector.extract_strided_slice %broadcast_in_dim3A_29 {offsets = [768, 0], sizes = [128, 1], strides = [1, 1]} : vector<2048x1xi32> to vector<128x1xi32>
    %add3A_284 = arith.addi %mul3A_138, %slice3A_283 : vector<128x1xi32>
    %eq3A_285 = vector.broadcast %add3A_284 : vector<128x1xi32> to vector<128x512xi32>
    %eq3A_286 = arith.cmpi eq, %iota3A_107, %eq3A_285 : vector<128x512xi32>
    %jit3A_287 = arith.constant 1.000000e+00 : f32
    %jit3A_288 = arith.constant 0.000000e+00 : f32
    %broadcast_in_dim3A_289 = vector.broadcast %jit3A_287 : f32 to vector<128x512xf32>
    %broadcast_in_dim3A_290 = vector.broadcast %jit3A_288 : f32 to vector<128x512xf32>
    %select_n3A_291 = arith.select %eq3A_286, %broadcast_in_dim3A_289, %broadcast_in_dim3A_290 : vector<128x512xi1>, vector<128x512xf32>
    %convert_element_type3A_292 = arith.truncf %select_n3A_291 : vector<128x512xf32> to vector<128x512xbf16>
    %slice3A_293 = vector.extract_strided_slice %convert_element_type3A_106 {offsets = [768, 0], sizes = [128, 64], strides = [1, 1]} : vector<2048x64xbf16> to vector<128x64xbf16>
    %dot_general3A_294 = arith.constant dense<0.000000e+00> : vector<512x64xf32>
    %dot_general3A_295 = tpu.matmul %convert_element_type3A_292, %slice3A_293, %dot_general3A_294 {dimension_numbers = #tpu.dot_dimension_numbers<[0], [0], [1], [1], [0, 1, 1, 1], [], []>, transpose_lhs_hint = false} : vector<128x512xbf16>, vector<128x64xbf16>, vector<512x64xf32> -> vector<512x64xf32>
    %reduce_sum3A_296 = arith.constant dense<0.000000e+00> : vector<512xf32>
    %reduce_sum3A_297 = vector.multi_reduction <add>, %dot_general3A_295, %reduce_sum3A_296 [1] : vector<512x64xf32> to vector<512xf32>
    %broadcast_in_dim3A_298 = vector.shape_cast %reduce_sum3A_297 : vector<512xf32> to vector<512x1xf32>
    %add3A_299 = arith.constant 9.99999971E-10 : f32
    %add3A_300 = vector.broadcast %add3A_299 : f32 to vector<512x1xf32>
    %add3A_301 = arith.addf %broadcast_in_dim3A_298, %add3A_300 : vector<512x1xf32>
    %div3A_302 = vector.broadcast %add3A_301 : vector<512x1xf32> to vector<512x64xf32>
    %div3A_303 = arith.divf %dot_general3A_295, %div3A_302 : vector<512x64xf32>
    %swap3A_304 = arith.constant 3072 : index
    %swap3A_305 = arith.constant 0 : index
    %swap3A_306 = vector.load %arg8[%swap3A_304, %swap3A_305] : memref<8192x64xf32, #tpu.memory_space<vmem>>, vector<512x64xf32>
    tpu.vector_store %arg8[%swap3A_304, %swap3A_305], %div3A_303 {strides = array<i32>} : memref<8192x64xf32, #tpu.memory_space<vmem>>, vector<512x64xf32>,
    %slice3A_307 = vector.extract_strided_slice %broadcast_in_dim3A_29 {offsets = [896, 0], sizes = [128, 1], strides = [1, 1]} : vector<2048x1xi32> to vector<128x1xi32>
    %add3A_308 = arith.addi %mul3A_138, %slice3A_307 : vector<128x1xi32>
    %eq3A_309 = vector.broadcast %add3A_308 : vector<128x1xi32> to vector<128x512xi32>
    %eq3A_310 = arith.cmpi eq, %iota3A_107, %eq3A_309 : vector<128x512xi32>
    %jit3A_311 = arith.constant 1.000000e+00 : f32
    %jit3A_312 = arith.constant 0.000000e+00 : f32
    %broadcast_in_dim3A_313 = vector.broadcast %jit3A_311 : f32 to vector<128x512xf32>
    %broadcast_in_dim3A_314 = vector.broadcast %jit3A_312 : f32 to vector<128x512xf32>
    %select_n3A_315 = arith.select %eq3A_310, %broadcast_in_dim3A_313, %broadcast_in_dim3A_314 : vector<128x512xi1>, vector<128x512xf32>
    %convert_element_type3A_316 = arith.truncf %select_n3A_315 : vector<128x512xf32> to vector<128x512xbf16>
    %slice3A_317 = vector.extract_strided_slice %convert_element_type3A_106 {offsets = [896, 0], sizes = [128, 64], strides = [1, 1]} : vector<2048x64xbf16> to vector<128x64xbf16>
    %dot_general3A_318 = arith.constant dense<0.000000e+00> : vector<512x64xf32>
    %dot_general3A_319 = tpu.matmul %convert_element_type3A_316, %slice3A_317, %dot_general3A_318 {dimension_numbers = #tpu.dot_dimension_numbers<[0], [0], [1], [1], [0, 1, 1, 1], [], []>, transpose_lhs_hint = false} : vector<128x512xbf16>, vector<128x64xbf16>, vector<512x64xf32> -> vector<512x64xf32>
    %reduce_sum3A_320 = arith.constant dense<0.000000e+00> : vector<512xf32>
    %reduce_sum3A_321 = vector.multi_reduction <add>, %dot_general3A_319, %reduce_sum3A_320 [1] : vector<512x64xf32> to vector<512xf32>
    %broadcast_in_dim3A_322 = vector.shape_cast %reduce_sum3A_321 : vector<512xf32> to vector<512x1xf32>
    %add3A_323 = arith.constant 9.99999971E-10 : f32
    %add3A_324 = vector.broadcast %add3A_323 : f32 to vector<512x1xf32>
    %add3A_325 = arith.addf %broadcast_in_dim3A_322, %add3A_324 : vector<512x1xf32>
    %div3A_326 = vector.broadcast %add3A_325 : vector<512x1xf32> to vector<512x64xf32>
    %div3A_327 = arith.divf %dot_general3A_319, %div3A_326 : vector<512x64xf32>
    %swap3A_328 = arith.constant 3584 : index
    %swap3A_329 = arith.constant 0 : index
    %swap3A_330 = vector.load %arg8[%swap3A_328, %swap3A_329] : memref<8192x64xf32, #tpu.memory_space<vmem>>, vector<512x64xf32>
    tpu.vector_store %arg8[%swap3A_328, %swap3A_329], %div3A_327 {strides = array<i32>} : memref<8192x64xf32, #tpu.memory_space<vmem>>, vector<512x64xf32>,
    %slice3A_331 = vector.extract_strided_slice %broadcast_in_dim3A_29 {offsets = [1024, 0], sizes = [128, 1], strides = [1, 1]} : vector<2048x1xi32> to vector<128x1xi32>
    %add3A_332 = arith.addi %mul3A_138, %slice3A_331 : vector<128x1xi32>
    %eq3A_333 = vector.broadcast %add3A_332 : vector<128x1xi32> to vector<128x512xi32>
    %eq3A_334 = arith.cmpi eq, %iota3A_107, %eq3A_333 : vector<128x512xi32>
    %jit3A_335 = arith.constant 1.000000e+00 : f32
    %jit3A_336 = arith.constant 0.000000e+00 : f32
    %broadcast_in_dim3A_337 = vector.broadcast %jit3A_335 : f32 to vector<128x512xf32>
    %broadcast_in_dim3A_338 = vector.broadcast %jit3A_336 : f32 to vector<128x512xf32>
    %select_n3A_339 = arith.select %eq3A_334, %broadcast_in_dim3A_337, %broadcast_in_dim3A_338 : vector<128x512xi1>, vector<128x512xf32>
    %convert_element_type3A_340 = arith.truncf %select_n3A_339 : vector<128x512xf32> to vector<128x512xbf16>
    %slice3A_341 = vector.extract_strided_slice %convert_element_type3A_106 {offsets = [1024, 0], sizes = [128, 64], strides = [1, 1]} : vector<2048x64xbf16> to vector<128x64xbf16>
    %dot_general3A_342 = arith.constant dense<0.000000e+00> : vector<512x64xf32>
    %dot_general3A_343 = tpu.matmul %convert_element_type3A_340, %slice3A_341, %dot_general3A_342 {dimension_numbers = #tpu.dot_dimension_numbers<[0], [0], [1], [1], [0, 1, 1, 1], [], []>, transpose_lhs_hint = false} : vector<128x512xbf16>, vector<128x64xbf16>, vector<512x64xf32> -> vector<512x64xf32>
    %reduce_sum3A_344 = arith.constant dense<0.000000e+00> : vector<512xf32>
    %reduce_sum3A_345 = vector.multi_reduction <add>, %dot_general3A_343, %reduce_sum3A_344 [1] : vector<512x64xf32> to vector<512xf32>
    %broadcast_in_dim3A_346 = vector.shape_cast %reduce_sum3A_345 : vector<512xf32> to vector<512x1xf32>
    %add3A_347 = arith.constant 9.99999971E-10 : f32
    %add3A_348 = vector.broadcast %add3A_347 : f32 to vector<512x1xf32>
    %add3A_349 = arith.addf %broadcast_in_dim3A_346, %add3A_348 : vector<512x1xf32>
    %div3A_350 = vector.broadcast %add3A_349 : vector<512x1xf32> to vector<512x64xf32>
    %div3A_351 = arith.divf %dot_general3A_343, %div3A_350 : vector<512x64xf32>
    %swap3A_352 = arith.constant 4096 : index
    %swap3A_353 = arith.constant 0 : index
    %swap3A_354 = vector.load %arg8[%swap3A_352, %swap3A_353] : memref<8192x64xf32, #tpu.memory_space<vmem>>, vector<512x64xf32>
    tpu.vector_store %arg8[%swap3A_352, %swap3A_353], %div3A_351 {strides = array<i32>} : memref<8192x64xf32, #tpu.memory_space<vmem>>, vector<512x64xf32>,
    %slice3A_355 = vector.extract_strided_slice %broadcast_in_dim3A_29 {offsets = [1152, 0], sizes = [128, 1], strides = [1, 1]} : vector<2048x1xi32> to vector<128x1xi32>
    %add3A_356 = arith.addi %mul3A_138, %slice3A_355 : vector<128x1xi32>
    %eq3A_357 = vector.broadcast %add3A_356 : vector<128x1xi32> to vector<128x512xi32>
    %eq3A_358 = arith.cmpi eq, %iota3A_107, %eq3A_357 : vector<128x512xi32>
    %jit3A_359 = arith.constant 1.000000e+00 : f32
    %jit3A_360 = arith.constant 0.000000e+00 : f32
    %broadcast_in_dim3A_361 = vector.broadcast %jit3A_359 : f32 to vector<128x512xf32>
    %broadcast_in_dim3A_362 = vector.broadcast %jit3A_360 : f32 to vector<128x512xf32>
    %select_n3A_363 = arith.select %eq3A_358, %broadcast_in_dim3A_361, %broadcast_in_dim3A_362 : vector<128x512xi1>, vector<128x512xf32>
    %convert_element_type3A_364 = arith.truncf %select_n3A_363 : vector<128x512xf32> to vector<128x512xbf16>
    %slice3A_365 = vector.extract_strided_slice %convert_element_type3A_106 {offsets = [1152, 0], sizes = [128, 64], strides = [1, 1]} : vector<2048x64xbf16> to vector<128x64xbf16>
    %dot_general3A_366 = arith.constant dense<0.000000e+00> : vector<512x64xf32>
    %dot_general3A_367 = tpu.matmul %convert_element_type3A_364, %slice3A_365, %dot_general3A_366 {dimension_numbers = #tpu.dot_dimension_numbers<[0], [0], [1], [1], [0, 1, 1, 1], [], []>, transpose_lhs_hint = false} : vector<128x512xbf16>, vector<128x64xbf16>, vector<512x64xf32> -> vector<512x64xf32>
    %reduce_sum3A_368 = arith.constant dense<0.000000e+00> : vector<512xf32>
    %reduce_sum3A_369 = vector.multi_reduction <add>, %dot_general3A_367, %reduce_sum3A_368 [1] : vector<512x64xf32> to vector<512xf32>
    %broadcast_in_dim3A_370 = vector.shape_cast %reduce_sum3A_369 : vector<512xf32> to vector<512x1xf32>
    %add3A_371 = arith.constant 9.99999971E-10 : f32
    %add3A_372 = vector.broadcast %add3A_371 : f32 to vector<512x1xf32>
    %add3A_373 = arith.addf %broadcast_in_dim3A_370, %add3A_372 : vector<512x1xf32>
    %div3A_374 = vector.broadcast %add3A_373 : vector<512x1xf32> to vector<512x64xf32>
    %div3A_375 = arith.divf %dot_general3A_367, %div3A_374 : vector<512x64xf32>
    %swap3A_376 = arith.constant 4608 : index
    %swap3A_377 = arith.constant 0 : index
    %swap3A_378 = vector.load %arg8[%swap3A_376, %swap3A_377] : memref<8192x64xf32, #tpu.memory_space<vmem>>, vector<512x64xf32>
    tpu.vector_store %arg8[%swap3A_376, %swap3A_377], %div3A_375 {strides = array<i32>} : memref<8192x64xf32, #tpu.memory_space<vmem>>, vector<512x64xf32>,
    %slice3A_379 = vector.extract_strided_slice %broadcast_in_dim3A_29 {offsets = [1280, 0], sizes = [128, 1], strides = [1, 1]} : vector<2048x1xi32> to vector<128x1xi32>
    %add3A_380 = arith.addi %mul3A_138, %slice3A_379 : vector<128x1xi32>
    %eq3A_381 = vector.broadcast %add3A_380 : vector<128x1xi32> to vector<128x512xi32>
    %eq3A_382 = arith.cmpi eq, %iota3A_107, %eq3A_381 : vector<128x512xi32>
    %jit3A_383 = arith.constant 1.000000e+00 : f32
    %jit3A_384 = arith.constant 0.000000e+00 : f32
    %broadcast_in_dim3A_385 = vector.broadcast %jit3A_383 : f32 to vector<128x512xf32>
    %broadcast_in_dim3A_386 = vector.broadcast %jit3A_384 : f32 to vector<128x512xf32>
    %select_n3A_387 = arith.select %eq3A_382, %broadcast_in_dim3A_385, %broadcast_in_dim3A_386 : vector<128x512xi1>, vector<128x512xf32>
    %convert_element_type3A_388 = arith.truncf %select_n3A_387 : vector<128x512xf32> to vector<128x512xbf16>
    %slice3A_389 = vector.extract_strided_slice %convert_element_type3A_106 {offsets = [1280, 0], sizes = [128, 64], strides = [1, 1]} : vector<2048x64xbf16> to vector<128x64xbf16>
    %dot_general3A_390 = arith.constant dense<0.000000e+00> : vector<512x64xf32>
    %dot_general3A_391 = tpu.matmul %convert_element_type3A_388, %slice3A_389, %dot_general3A_390 {dimension_numbers = #tpu.dot_dimension_numbers<[0], [0], [1], [1], [0, 1, 1, 1], [], []>, transpose_lhs_hint = false} : vector<128x512xbf16>, vector<128x64xbf16>, vector<512x64xf32> -> vector<512x64xf32>
    %reduce_sum3A_392 = arith.constant dense<0.000000e+00> : vector<512xf32>
    %reduce_sum3A_393 = vector.multi_reduction <add>, %dot_general3A_391, %reduce_sum3A_392 [1] : vector<512x64xf32> to vector<512xf32>
    %broadcast_in_dim3A_394 = vector.shape_cast %reduce_sum3A_393 : vector<512xf32> to vector<512x1xf32>
    %add3A_395 = arith.constant 9.99999971E-10 : f32
    %add3A_396 = vector.broadcast %add3A_395 : f32 to vector<512x1xf32>
    %add3A_397 = arith.addf %broadcast_in_dim3A_394, %add3A_396 : vector<512x1xf32>
    %div3A_398 = vector.broadcast %add3A_397 : vector<512x1xf32> to vector<512x64xf32>
    %div3A_399 = arith.divf %dot_general3A_391, %div3A_398 : vector<512x64xf32>
    %swap3A_400 = arith.constant 5120 : index
    %swap3A_401 = arith.constant 0 : index
    %swap3A_402 = vector.load %arg8[%swap3A_400, %swap3A_401] : memref<8192x64xf32, #tpu.memory_space<vmem>>, vector<512x64xf32>
    tpu.vector_store %arg8[%swap3A_400, %swap3A_401], %div3A_399 {strides = array<i32>} : memref<8192x64xf32, #tpu.memory_space<vmem>>, vector<512x64xf32>,
    %slice3A_403 = vector.extract_strided_slice %broadcast_in_dim3A_29 {offsets = [1408, 0], sizes = [128, 1], strides = [1, 1]} : vector<2048x1xi32> to vector<128x1xi32>
    %add3A_404 = arith.addi %mul3A_138, %slice3A_403 : vector<128x1xi32>
    %eq3A_405 = vector.broadcast %add3A_404 : vector<128x1xi32> to vector<128x512xi32>
    %eq3A_406 = arith.cmpi eq, %iota3A_107, %eq3A_405 : vector<128x512xi32>
    %jit3A_407 = arith.constant 1.000000e+00 : f32
    %jit3A_408 = arith.constant 0.000000e+00 : f32
    %broadcast_in_dim3A_409 = vector.broadcast %jit3A_407 : f32 to vector<128x512xf32>
    %broadcast_in_dim3A_410 = vector.broadcast %jit3A_408 : f32 to vector<128x512xf32>
    %select_n3A_411 = arith.select %eq3A_406, %broadcast_in_dim3A_409, %broadcast_in_dim3A_410 : vector<128x512xi1>, vector<128x512xf32>
    %convert_element_type3A_412 = arith.truncf %select_n3A_411 : vector<128x512xf32> to vector<128x512xbf16>
    %slice3A_413 = vector.extract_strided_slice %convert_element_type3A_106 {offsets = [1408, 0], sizes = [128, 64], strides = [1, 1]} : vector<2048x64xbf16> to vector<128x64xbf16>
    %dot_general3A_414 = arith.constant dense<0.000000e+00> : vector<512x64xf32>
    %dot_general3A_415 = tpu.matmul %convert_element_type3A_412, %slice3A_413, %dot_general3A_414 {dimension_numbers = #tpu.dot_dimension_numbers<[0], [0], [1], [1], [0, 1, 1, 1], [], []>, transpose_lhs_hint = false} : vector<128x512xbf16>, vector<128x64xbf16>, vector<512x64xf32> -> vector<512x64xf32>
    %reduce_sum3A_416 = arith.constant dense<0.000000e+00> : vector<512xf32>
    %reduce_sum3A_417 = vector.multi_reduction <add>, %dot_general3A_415, %reduce_sum3A_416 [1] : vector<512x64xf32> to vector<512xf32>
    %broadcast_in_dim3A_418 = vector.shape_cast %reduce_sum3A_417 : vector<512xf32> to vector<512x1xf32>
    %add3A_419 = arith.constant 9.99999971E-10 : f32
    %add3A_420 = vector.broadcast %add3A_419 : f32 to vector<512x1xf32>
    %add3A_421 = arith.addf %broadcast_in_dim3A_418, %add3A_420 : vector<512x1xf32>
    %div3A_422 = vector.broadcast %add3A_421 : vector<512x1xf32> to vector<512x64xf32>
    %div3A_423 = arith.divf %dot_general3A_415, %div3A_422 : vector<512x64xf32>
    %swap3A_424 = arith.constant 5632 : index
    %swap3A_425 = arith.constant 0 : index
    %swap3A_426 = vector.load %arg8[%swap3A_424, %swap3A_425] : memref<8192x64xf32, #tpu.memory_space<vmem>>, vector<512x64xf32>
    tpu.vector_store %arg8[%swap3A_424, %swap3A_425], %div3A_423 {strides = array<i32>} : memref<8192x64xf32, #tpu.memory_space<vmem>>, vector<512x64xf32>,
    %slice3A_427 = vector.extract_strided_slice %broadcast_in_dim3A_29 {offsets = [1536, 0], sizes = [128, 1], strides = [1, 1]} : vector<2048x1xi32> to vector<128x1xi32>
    %add3A_428 = arith.addi %mul3A_138, %slice3A_427 : vector<128x1xi32>
    %eq3A_429 = vector.broadcast %add3A_428 : vector<128x1xi32> to vector<128x512xi32>
    %eq3A_430 = arith.cmpi eq, %iota3A_107, %eq3A_429 : vector<128x512xi32>
    %jit3A_431 = arith.constant 1.000000e+00 : f32
    %jit3A_432 = arith.constant 0.000000e+00 : f32
    %broadcast_in_dim3A_433 = vector.broadcast %jit3A_431 : f32 to vector<128x512xf32>
    %broadcast_in_dim3A_434 = vector.broadcast %jit3A_432 : f32 to vector<128x512xf32>
    %select_n3A_435 = arith.select %eq3A_430, %broadcast_in_dim3A_433, %broadcast_in_dim3A_434 : vector<128x512xi1>, vector<128x512xf32>
    %convert_element_type3A_436 = arith.truncf %select_n3A_435 : vector<128x512xf32> to vector<128x512xbf16>
    %slice3A_437 = vector.extract_strided_slice %convert_element_type3A_106 {offsets = [1536, 0], sizes = [128, 64], strides = [1, 1]} : vector<2048x64xbf16> to vector<128x64xbf16>
    %dot_general3A_438 = arith.constant dense<0.000000e+00> : vector<512x64xf32>
    %dot_general3A_439 = tpu.matmul %convert_element_type3A_436, %slice3A_437, %dot_general3A_438 {dimension_numbers = #tpu.dot_dimension_numbers<[0], [0], [1], [1], [0, 1, 1, 1], [], []>, transpose_lhs_hint = false} : vector<128x512xbf16>, vector<128x64xbf16>, vector<512x64xf32> -> vector<512x64xf32>
    %reduce_sum3A_440 = arith.constant dense<0.000000e+00> : vector<512xf32>
    %reduce_sum3A_441 = vector.multi_reduction <add>, %dot_general3A_439, %reduce_sum3A_440 [1] : vector<512x64xf32> to vector<512xf32>
    %broadcast_in_dim3A_442 = vector.shape_cast %reduce_sum3A_441 : vector<512xf32> to vector<512x1xf32>
    %add3A_443 = arith.constant 9.99999971E-10 : f32
    %add3A_444 = vector.broadcast %add3A_443 : f32 to vector<512x1xf32>
    %add3A_445 = arith.addf %broadcast_in_dim3A_442, %add3A_444 : vector<512x1xf32>
    %div3A_446 = vector.broadcast %add3A_445 : vector<512x1xf32> to vector<512x64xf32>
    %div3A_447 = arith.divf %dot_general3A_439, %div3A_446 : vector<512x64xf32>
    %swap3A_448 = arith.constant 6144 : index
    %swap3A_449 = arith.constant 0 : index
    %swap3A_450 = vector.load %arg8[%swap3A_448, %swap3A_449] : memref<8192x64xf32, #tpu.memory_space<vmem>>, vector<512x64xf32>
    tpu.vector_store %arg8[%swap3A_448, %swap3A_449], %div3A_447 {strides = array<i32>} : memref<8192x64xf32, #tpu.memory_space<vmem>>, vector<512x64xf32>,
    %slice3A_451 = vector.extract_strided_slice %broadcast_in_dim3A_29 {offsets = [1664, 0], sizes = [128, 1], strides = [1, 1]} : vector<2048x1xi32> to vector<128x1xi32>
    %add3A_452 = arith.addi %mul3A_138, %slice3A_451 : vector<128x1xi32>
    %eq3A_453 = vector.broadcast %add3A_452 : vector<128x1xi32> to vector<128x512xi32>
    %eq3A_454 = arith.cmpi eq, %iota3A_107, %eq3A_453 : vector<128x512xi32>
    %jit3A_455 = arith.constant 1.000000e+00 : f32
    %jit3A_456 = arith.constant 0.000000e+00 : f32
    %broadcast_in_dim3A_457 = vector.broadcast %jit3A_455 : f32 to vector<128x512xf32>
    %broadcast_in_dim3A_458 = vector.broadcast %jit3A_456 : f32 to vector<128x512xf32>
    %select_n3A_459 = arith.select %eq3A_454, %broadcast_in_dim3A_457, %broadcast_in_dim3A_458 : vector<128x512xi1>, vector<128x512xf32>
    %convert_element_type3A_460 = arith.truncf %select_n3A_459 : vector<128x512xf32> to vector<128x512xbf16>
    %slice3A_461 = vector.extract_strided_slice %convert_element_type3A_106 {offsets = [1664, 0], sizes = [128, 64], strides = [1, 1]} : vector<2048x64xbf16> to vector<128x64xbf16>
    %dot_general3A_462 = arith.constant dense<0.000000e+00> : vector<512x64xf32>
    %dot_general3A_463 = tpu.matmul %convert_element_type3A_460, %slice3A_461, %dot_general3A_462 {dimension_numbers = #tpu.dot_dimension_numbers<[0], [0], [1], [1], [0, 1, 1, 1], [], []>, transpose_lhs_hint = false} : vector<128x512xbf16>, vector<128x64xbf16>, vector<512x64xf32> -> vector<512x64xf32>
    %reduce_sum3A_464 = arith.constant dense<0.000000e+00> : vector<512xf32>
    %reduce_sum3A_465 = vector.multi_reduction <add>, %dot_general3A_463, %reduce_sum3A_464 [1] : vector<512x64xf32> to vector<512xf32>
    %broadcast_in_dim3A_466 = vector.shape_cast %reduce_sum3A_465 : vector<512xf32> to vector<512x1xf32>
    %add3A_467 = arith.constant 9.99999971E-10 : f32
    %add3A_468 = vector.broadcast %add3A_467 : f32 to vector<512x1xf32>
    %add3A_469 = arith.addf %broadcast_in_dim3A_466, %add3A_468 : vector<512x1xf32>
    %div3A_470 = vector.broadcast %add3A_469 : vector<512x1xf32> to vector<512x64xf32>
    %div3A_471 = arith.divf %dot_general3A_463, %div3A_470 : vector<512x64xf32>
    %swap3A_472 = arith.constant 6656 : index
    %swap3A_473 = arith.constant 0 : index
    %swap3A_474 = vector.load %arg8[%swap3A_472, %swap3A_473] : memref<8192x64xf32, #tpu.memory_space<vmem>>, vector<512x64xf32>
    tpu.vector_store %arg8[%swap3A_472, %swap3A_473], %div3A_471 {strides = array<i32>} : memref<8192x64xf32, #tpu.memory_space<vmem>>, vector<512x64xf32>,
    %slice3A_475 = vector.extract_strided_slice %broadcast_in_dim3A_29 {offsets = [1792, 0], sizes = [128, 1], strides = [1, 1]} : vector<2048x1xi32> to vector<128x1xi32>
    %add3A_476 = arith.addi %mul3A_138, %slice3A_475 : vector<128x1xi32>
    %eq3A_477 = vector.broadcast %add3A_476 : vector<128x1xi32> to vector<128x512xi32>
    %eq3A_478 = arith.cmpi eq, %iota3A_107, %eq3A_477 : vector<128x512xi32>
    %jit3A_479 = arith.constant 1.000000e+00 : f32
    %jit3A_480 = arith.constant 0.000000e+00 : f32
    %broadcast_in_dim3A_481 = vector.broadcast %jit3A_479 : f32 to vector<128x512xf32>
    %broadcast_in_dim3A_482 = vector.broadcast %jit3A_480 : f32 to vector<128x512xf32>
    %select_n3A_483 = arith.select %eq3A_478, %broadcast_in_dim3A_481, %broadcast_in_dim3A_482 : vector<128x512xi1>, vector<128x512xf32>
    %convert_element_type3A_484 = arith.truncf %select_n3A_483 : vector<128x512xf32> to vector<128x512xbf16>
    %slice3A_485 = vector.extract_strided_slice %convert_element_type3A_106 {offsets = [1792, 0], sizes = [128, 64], strides = [1, 1]} : vector<2048x64xbf16> to vector<128x64xbf16>
    %dot_general3A_486 = arith.constant dense<0.000000e+00> : vector<512x64xf32>
    %dot_general3A_487 = tpu.matmul %convert_element_type3A_484, %slice3A_485, %dot_general3A_486 {dimension_numbers = #tpu.dot_dimension_numbers<[0], [0], [1], [1], [0, 1, 1, 1], [], []>, transpose_lhs_hint = false} : vector<128x512xbf16>, vector<128x64xbf16>, vector<512x64xf32> -> vector<512x64xf32>
    %reduce_sum3A_488 = arith.constant dense<0.000000e+00> : vector<512xf32>
    %reduce_sum3A_489 = vector.multi_reduction <add>, %dot_general3A_487, %reduce_sum3A_488 [1] : vector<512x64xf32> to vector<512xf32>
    %broadcast_in_dim3A_490 = vector.shape_cast %reduce_sum3A_489 : vector<512xf32> to vector<512x1xf32>
    %add3A_491 = arith.constant 9.99999971E-10 : f32
    %add3A_492 = vector.broadcast %add3A_491 : f32 to vector<512x1xf32>
    %add3A_493 = arith.addf %broadcast_in_dim3A_490, %add3A_492 : vector<512x1xf32>
    %div3A_494 = vector.broadcast %add3A_493 : vector<512x1xf32> to vector<512x64xf32>
    %div3A_495 = arith.divf %dot_general3A_487, %div3A_494 : vector<512x64xf32>
    %swap3A_496 = arith.constant 7168 : index
    %swap3A_497 = arith.constant 0 : index
    %swap3A_498 = vector.load %arg8[%swap3A_496, %swap3A_497] : memref<8192x64xf32, #tpu.memory_space<vmem>>, vector<512x64xf32>
    tpu.vector_store %arg8[%swap3A_496, %swap3A_497], %div3A_495 {strides = array<i32>} : memref<8192x64xf32, #tpu.memory_space<vmem>>, vector<512x64xf32>,
    %slice3A_499 = vector.extract_strided_slice %broadcast_in_dim3A_29 {offsets = [1920, 0], sizes = [128, 1], strides = [1, 1]} : vector<2048x1xi32> to vector<128x1xi32>
    %add3A_500 = arith.addi %mul3A_138, %slice3A_499 : vector<128x1xi32>
    %eq3A_501 = vector.broadcast %add3A_500 : vector<128x1xi32> to vector<128x512xi32>
    %eq3A_502 = arith.cmpi eq, %iota3A_107, %eq3A_501 : vector<128x512xi32>
    %jit3A_503 = arith.constant 1.000000e+00 : f32
    %jit3A_504 = arith.constant 0.000000e+00 : f32
    %broadcast_in_dim3A_505 = vector.broadcast %jit3A_503 : f32 to vector<128x512xf32>
    %broadcast_in_dim3A_506 = vector.broadcast %jit3A_504 : f32 to vector<128x512xf32>
    %select_n3A_507 = arith.select %eq3A_502, %broadcast_in_dim3A_505, %broadcast_in_dim3A_506 : vector<128x512xi1>, vector<128x512xf32>
    %convert_element_type3A_508 = arith.truncf %select_n3A_507 : vector<128x512xf32> to vector<128x512xbf16>
    %slice3A_509 = vector.extract_strided_slice %convert_element_type3A_106 {offsets = [1920, 0], sizes = [128, 64], strides = [1, 1]} : vector<2048x64xbf16> to vector<128x64xbf16>
    %dot_general3A_510 = arith.constant dense<0.000000e+00> : vector<512x64xf32>
    %dot_general3A_511 = tpu.matmul %convert_element_type3A_508, %slice3A_509, %dot_general3A_510 {dimension_numbers = #tpu.dot_dimension_numbers<[0], [0], [1], [1], [0, 1, 1, 1], [], []>, transpose_lhs_hint = false} : vector<128x512xbf16>, vector<128x64xbf16>, vector<512x64xf32> -> vector<512x64xf32>
    %reduce_sum3A_512 = arith.constant dense<0.000000e+00> : vector<512xf32>
    %reduce_sum3A_513 = vector.multi_reduction <add>, %dot_general3A_511, %reduce_sum3A_512 [1] : vector<512x64xf32> to vector<512xf32>
    %broadcast_in_dim3A_514 = vector.shape_cast %reduce_sum3A_513 : vector<512xf32> to vector<512x1xf32>
    %add3A_515 = arith.constant 9.99999971E-10 : f32
    %add3A_516 = vector.broadcast %add3A_515 : f32 to vector<512x1xf32>
    %add3A_517 = arith.addf %broadcast_in_dim3A_514, %add3A_516 : vector<512x1xf32>
    %div3A_518 = vector.broadcast %add3A_517 : vector<512x1xf32> to vector<512x64xf32>
    %div3A_519 = arith.divf %dot_general3A_511, %div3A_518 : vector<512x64xf32>
    %swap3A_520 = arith.constant 7680 : index
    %swap3A_521 = arith.constant 0 : index
    %swap3A_522 = vector.load %arg8[%swap3A_520, %swap3A_521] : memref<8192x64xf32, #tpu.memory_space<vmem>>, vector<512x64xf32>
    tpu.vector_store %arg8[%swap3A_520, %swap3A_521], %div3A_519 {strides = array<i32>} : memref<8192x64xf32, #tpu.memory_space<vmem>>, vector<512x64xf32>,
    return
  }
  func.func @transform_0(%arg0: i32) -> (i32, i32) {
    %c0_i32 = arith.constant 0 : i32
    %c0_i32_0 = arith.constant 0 : i32
    return %arg0, %c0_i32 : i32, i32
  }
  func.func @transform_1(%arg0: i32) -> (i32, i32) {
    %c0_i32 = arith.constant 0 : i32
    %c0_i32_0 = arith.constant 0 : i32
    return %arg0, %c0_i32 : i32, i32
  }
  func.func @transform_2(%arg0: i32) -> (i32, i32) {
    %c0_i32 = arith.constant 0 : i32
    %c0_i32_0 = arith.constant 0 : i32
    return %arg0, %c0_i32 : i32, i32
  }
  func.func @transform_3(%arg0: i32) -> (i32, i32) {
    %c0_i32 = arith.constant 0 : i32
    %c0_i32_0 = arith.constant 0 : i32
    %c0_i32_1 = arith.constant 0 : i32
    return %c0_i32, %c0_i32_0 : i32, i32
  }
  func.func @transform_4(%arg0: i32) -> (i32, i32) {
    %c0_i32 = arith.constant 0 : i32
    %c0_i32_0 = arith.constant 0 : i32
    %c0_i32_1 = arith.constant 0 : i32
    return %c0_i32, %c0_i32_0 : i32, i32
  }
  func.func @transform_5(%arg0: i32) -> (i32, i32) {
    %c0_i32 = arith.constant 0 : i32
    %c0_i32_0 = arith.constant 0 : i32
    return %arg0, %c0_i32 : i32, i32
  }
  func.func @transform_6(%arg0: i32) -> (i32, i32, i32) {
    %c0_i32 = arith.constant 0 : i32
    %c0_i32_0 = arith.constant 0 : i32
    %c0_i32_1 = arith.constant 0 : i32
    return %arg0, %c0_i32, %c0_i32_0 : i32, i32, i32
  }
  func.func @transform_7(%arg0: i32) -> (i32, i32) {
    %c0_i32 = arith.constant 0 : i32
    %c0_i32_0 = arith.constant 0 : i32
    return %arg0, %c0_i32 : i32, i32
  }
}

</mosaic_0001>

<sc_bundles>
// kernel: sparse-core-data-format-call.1.cloned.1.call-start
scs
called_computation.1_lowered:
.L_overlay_start_0:
0x0: {  	s2 =	sld [smem:$0x3FD9]  }
0x1: {  	s3 =	sld [smem:$0x3FFE];
	_ =	sdelay $0x1  }
0x2: {  	s1 =	srdreg.scid  }
0x3: {  	s0 =	sand.u32 $0x1, s1  }
0x4: {  	s15 =	sshll.u32 s0, $0xA;
	s2 =	sadd.s32 s3, s2  }
0x5: {  	s2 =	sadd.s32 s2, s15  }
0x6: {  	[smem:$0x3FC4] =	sst s2  }
0x7: {  	_ = 	snop  }
0x8: {  	s2 =	sld [smem:$0x3FD0];
	_ =	sdelay $0x2  }
0x9: {  	s16 =	simm.s32 $0xB;
	s4 =	simm.s32 $0x10  }
0xa: {  	[smem:s4], [sflag:s16] =	dma.local [hbm:s2], $0x1  }
0xb: {  	_ =	swait.eq [sflag:s16], $0x1  }
0xc: {  	[sflag:s16] =	ssyncset.done $0x0  }
0xd: {  	[sflag:s16] =	ssyncadd.s32 $0xFFFFFFFF  }
0xe: {  	s17 =	sld [smem:$0x13];
	(tm) =	ssettm $0x1  }
0xf: {  	s18 =	sld [smem:$0x3FFB];
	_ =	sdelay $0x3  }
0x10: {  	_ =	strace s18  }
0x11: {  	s3 =	sld [smem:$0x3FFC];
	_ =	sdelay $0x3  }
0x12: {  	_ =	strace s3  }
0x13: {  	s3 =	sld [smem:$0x3FFD];
	_ =	sdelay $0x3  }
0x14: {  	_ =	strace s3  }
0x15: {  	_ =	strace $0x8FFFFFFF  }
0x16: {  	s19 =	sld [smem:$0x3FDB];
	_ =	sdelay $0x1  }
0x17: {  	s20 =	simm.s32 $_scs_section_size  }
0x18: {  	s5 =	simm.s32 $_size__tile_overlayer_lowered;
	s6 =	simm.s32 $_tile_overlayer_lowered  }
0x19: {  	s23 =	simm.s32 $0x1BFF;
	s22 =	sshll.u32 s6, $0x1;
	s3 =	sadd.s32 s20, s19  }
0x1a: {  	s7 =	simm.s32 $0x0;
	s21 =	sshll.u32 s5, $0x1;
	s5 =	sadd.s32 s22, s3  }
0x1b: {  	[timem:s7], [sflag:s23] =	dma.local [hbm:s5], s21  }
0x1c: {  	_ =	swait.ge [sflag:s23], s21  }
0x1d: {  	s4 =	ssub.s32 $0x0, s21;
	[sflag:s23] =	ssyncset.done $0x0  }
0x1e: {  	[sflag:s23] =	ssyncadd.s32 s4;
	_ =	sdelay $0x1  }
0x1f: {  	s24 =	simm.s32 $0x1B8B  }
0x20: {  	_ =	swait.ge [sflag:s24], $0x1  }
0x21: {  	[sflag:s24] =	ssyncset.done $0x0  }
0x22: {  	s26 =	simm.s32 $0x1B8E;
	s25 =	sld [smem:$0x3FFE];
	[sflag:s24] =	ssyncadd.s32 $0xFFFFFFFF  }
0x23: {  	s27 =	simm.s32 $execute0_lowered;
	[smem:$0x3FD2] =	sst s26  }
0x24: {  	s5 =	sshll.u32 s27, $0x1;
	_ =	strace $0x80000046;
	[dreg:$0x1] =	wrdreg $0xFFFFFFFF  }
0x25: {  	s28 =	simm.s32 $_size_execute0_lowered;
	s3 =	sadd.s32 s3, s5;
	[dreg:$0x0] =	wrdreg $0x0  }
0x26: {  	s5 =	sshll.u32 s28, $0x1;
	[dreg:$0x2] =	wrdreg s3  }
0x27: {  	[dreg:$0x3] =	wrdreg s5  }
0x28: {  	[dreg:$0x4] =	wrdreg $0xC0  }
0x29: {  	_ =	task [dreg:s7], $0x5FFFF  }
0x2a: {  	[dreg:$0x1] =	wrdreg $0xFFFFFFFF  }
0x2b: {  	[dreg:$0x0] =	wrdreg $0x60  }
0x2c: {  	[dreg:$0x2] =	wrdreg s17  }
0x2d: {  	[dreg:$0x3] =	wrdreg s25  }
0x2e: {  	[dreg:$0x4] =	wrdreg $0xA  }
0x2f: {  	_ =	task.clear_ibuf [dreg:s7], $0x5FFFF;
	_ =	strace $0x90000046  }
0x30: {  	s29 =	simm.s32 $0xA;
	_ =	strace $0x80000048  }
0x31: {  	_ =	swait.ge [sflag:s29], $0x1  }
0x32: {  	[sflag:s29] =	ssyncadd.s32 $0xFFFFFFFF  }
0x33: {  	_ =	strace $0x90000048  }
0x34: {  	_ =	sfence  }
0x35: {  	s30 =	sld [smem:$0x0];
	_ =	sdelay $0x2  }
0x36: {  	s31 =	sshll.u32 s1, $0xD;
	s1 =	sshrl.u32 s1, $0x2  }
0x37: {  	s3 =	sand.u32 $0x4000, s31;
	s1 =	sadd.s32 s1, s30  }
0x38: {  	s0 =	sor.u32 s3, s0;
	s1 =	sshll.u32 s1, $0x11  }
0x39: {  	s0 =	sor.u32 s1, s0  }
0x3a: {  	s0 =	sadd.s32 $0x8F2B, s0  }
0x3b: {  	[sflag:s0] =	ssyncadd.remote.s32 $0x1  }
0x3c: {  	_ =	sfence.sel $0xFFFF  }
0x3d: {  	[dreg:$0x0] =	wrdreg $0xFFFFFFFF;
	(pc) =	sbr.abs _section_cstart, $3  }
0x3e: {  	[dreg:$0x1] =	wrdreg $0xFFFFFFFF  }
0x3f: {  	_ =	task.clear_ibuf [dreg:s7], $0x2FFFF;
	_ =	strace $0x9FFFFFFF  }
0x40: {  	(tm) =	ssettm $0x7FFFFFFF  }
0x41: {  	_ =	shalt  }
tec
execute0_lowered:
.L_overlay_start_1:
0x0: {  	(tag) =	ssettag $0x1  }
0x1: {  	s0 =	stileid.u32;
	s3 =	rddreg [dreg:$0x0]  }
0x2: {  	s1 =	srdreg.scid;
	s8 =	rddreg [dreg:$0x1]  }
0x3: {  	s31 =	simm.s32 $0x2;
	s2 =	sshll.u32 s0, $0x6;
	s1 =	sshll.u32 s1, $0xA  }
0x4: {  	s14 =	simm.s32 $0x0;
	s9 =	simm.s32 $0x8000;
	s1 =	sor.u32 s2, s1  }
0x5: {  	s15 =	simm.s32 $0x0;
	s16 =	simm.s32 $0x0;
	s1 =	sand.u32 $0x780, s1  }
0x6: {  	s10 =	simm.s32 $0x0;
	s2 =	sand.u32 $0x1, s0;
	s4 =	ssub.s32 $0x1000, s1  }
0x7: {  	s13 =	simm.s32 $0x0;
	s5 =	ssub.s32 $0x2, s2;
	s6 =	sand.u32 $0x780, s4  }
0x8: {  	s7 =	sshrl.u32 s5, $0x1;
	p0 =	sne.s32 s6, $0x0;
	s6 =	simm.s32 $0x1  }
0x9: {  	s5 =	sand.u32 $0x1, s5;
	s4 =	sshrl.u32 s4, $0xB;
	s6 =	simm.s32 @!p0 $0x0  }
.Ltmp0:
0xa: {  	s5 =	sadd.s32 s5, s7;
	s6 =	sadd.s32 s6, s4;
	(pc) =	sbr.rel .LBB1_1-.Ltmp0, $4  }
0xb: {  	s12 =	smov.u32 s2;
	s11 =	smov.u32 s1;
	s7 =	smul.u32 s6, s5  }
0xc: {  	s4 =	rddreg [dreg:$0x2];
	_ =	strace $0x80000047;
	s6 =	simm.s32 $0x1  }
0xd: {  	p0 =	por $0x0, $0x0;
	[sflag:s6] =	ssyncpa.u1 $0x0;
	s7 =	sshll.u32 s7, $0x6  }
0xe: {  	s5 =	sadd.s32 $0x387800, s8;
	[sflag:s31] =	ssyncpa.u1 $0x0;
	s8 =	sor.u32 $0x1, s7  }
.LBB1_4:
0xf: {  	s19 =	sshll.u32 s15, $0x3  }
0x10: {  	s20 =	sand.u32 $0x78, s15;
	s16 =	sshll.u32 s16, $0x15;
	s30 =	sand.u32 $0x7E00, s15  }
0x11: {  	s14 =	sshll.u32 s14, $0xF;
	s19 =	sand.u32 $0xC00, s19;
	s16 =	sadd.s32 s5, s16  }
0x12: {  	[tilespmem:s18+$0x810 ss:$0x81] =	vst.msk $0xffff, v2;
	s31 =	sand.u32 $0x7, s15;
	s19 =	sor.u32 s20, s19;
	s16 =	sadd.s32 s30, s16  }
0x13: {  	[tilespmem:s18+$0x1020 ss:$0x81] =	vst.msk $0xffff, v0;
	s15 =	sshll.u32 s31, $0x12;
	s19 =	sshrl.u32 s19, $0x3;
	s14 =	sadd.s32 s14, s16  }
0x14: {  	[tilespmem:s18+$0x0 ss:$0x81] =	vst.msk $0xffff, v1;
	s15 =	sor.u32 $0x400, s15;
	s14 =	sadd.s32 s19, s14  }
0x15: {  	[hbm4b:s14+s15] =	stream.strided.scatter [tilespmem:s17], [sflag:$0x2], $0x2000, s9, s15, $0x20;
	[tilespmem:$0x8080] =	vst v63  }
.LBB1_5:
0x16: {  	s17 =	sadd.s32 $0x1, s10  }
0x17: {  	s14 =	sadd.s32 $0x800, s11;
	s18 =	smov.u32 s11;
	p2 =	sgt.s32 s17, $0x3F  }
0x18: {  	s18 =	smov.u32 @p2 s14  }
0x19: {  	s20 =	smov.u32 s12;
	s14 =	sadd.s32 $0x2, s12;
	p3 =	sgt.s32 s18, $0xFFF  }
0x1a: {  	s20 =	smov.u32 @p3 s14  }
0x1b: {  	s17 =	simm.s32 @p2 $0x0;
	p2 =	sgt.s32 s20, $0x1  }
0x1c: {  	p1 =	slt.u32 s13, $0x2;
	s20 =	smov.u32 @p2 s2;
	p2 =	sne.s32 s13, s8  }
.Ltmp1:
0x1d: {  	s19 =	simm.s32 @!p1 $0x2;
	(pc) =	sbr.rel @!p2 .LBB1_6-.Ltmp1, $4  }
0x1e: {  	s15 =	smov.u32 s11;
	s16 =	smov.u32 s12;
	_ =	swait.ge @!p1 [sflag:s19], $0x2000  }
0x1f: {  	p0 =	por !p0, !p0;
	[sflag:s19] =	ssyncset.done @!p1 $0x0;
	s18 =	smov.u32 @p3 s1  }
0x20: {  	s14 =	smov.u32 s10;
	[sflag:s19] =	ssyncadd.s32 @!p1 $0xFFFFE000;
	s10 =	smov.u32 s17  }
0x21: {  	s11 =	smov.u32 s18;
	s13 =	sadd.s32 $0x1, s13;
	s12 =	smov.u32 s20  }
.LBB1_1:
0x22: {  	p1 =	sge.u32 s13, s7;
	s31 =	sadd.s32 $0xFFFFFFFF, s13  }
0x23: {  	s17 =	sxor.u32 @!p1 $0xFFFFFFFF, s13;
	s18 =	sshll.u32 @!p1 s12, $0x16;
	s19 =	sshll.u32 @!p1 s11, $0xA  }
0x24: {  	s20 =	sshll.u32 @!p1 s10, $0x4;
	s17 =	sshll.u32 @!p1 s17, $0xD;
	s18 =	sadd.s32 @!p1 s3, s18  }
0x25: {  	s20 =	sand.u32 @!p1 $0x3F0, s20;
	s17 =	sand.u32 @!p1 $0x2000, s17;
	s18 =	sadd.s32 @!p1 s19, s18  }
0x26: {  	s19 =	simm.s32 @!p1 $0x40;
	s18 =	sadd.s32 @!p1 s20, s18;
	s20 =	simm.s32 @!p1 $0x2000  }
0x27: {  	[tilespmem:s17], [sflag:$0x1] =	stream.strided.gather @!p1 [hbm4b:s18+s19], $0x2000, s20, s19, $0x38;
	[tilespmem:$0x8080] =	vst v63  }
0x28: {  	p1 =	sge.u32 s31, s7  }
.Ltmp2:
0x29: {  	_ = 	snop;
	(pc) =	sbr.rel @p1 .LBB1_5-.Ltmp2, $1  }
0x2a: {  	_ =	sdelay $0x3  }
0x2b: {  	s17 =	simm.s32 $0x1  }
0x2c: {  	_ =	swait.ge [sflag:s6], $0x2000;
	s17 =	simm.s32 @!p0 $0x0  }
0x2d: {  	[sflag:s6] =	ssyncset.done $0x0;
	s18 =	sshll.u32 s17, $0xD  }
0x2e: {  	[sflag:s6] =	ssyncadd.s32 $0xFFFFE000;
	s21 =	sor.u32 $0x20, s18  }
0x2f: {  	s17 =	smul.u32 $0x8100, s17;
	v3 =	vld [tilespmem:s21+$0x10]  }
0x30: {  	s30 =	sand.u32 $0x1, s13;
	v2 =	vld [tilespmem:s21+$0xFFFFFFF0]  }
0x31: {  	s18 =	smul.u32 $0x8100, s30;
	s17 =	sshrl.u32 s17, $0x2;
	v0 =	vld [tilespmem:s21+$0x0]  }
0x32: {  	v1 =	vld [tilespmem:s21+$0xFFFFFFE0];
	s19 =	sor.u32 $0x4000, s17  }
0x33: {  	s31 =	sshrl.u32 s18, $0x2;
	s18 =	sadd.s32 $0x0, s19  }
0x34: {  	s20 =	simm.s32 $0x4;
	s21 =	sadd.s32 $0x40, s21;
	s17 =	sor.u32 $0x4000, s31;
	[tilespmem:s18+$0x1830 ss:$0x81] =	vst.msk $0xffff, v3  }
.LBB1_3:
0x35: {  	v3 =	vld [tilespmem:s21+$0x10];
	p1 =	sne.s32 s20, $0x1FC;
	[tilespmem:s18+$0x810 ss:$0x81] =	vst.msk $0xffff, v2;
	s22 =	smov.u32 s20;
	s20 =	sadd.s32 $0x4, s20  }
.Ltmp3:
0x36: {  	v2 =	vld [tilespmem:s21+$0xFFFFFFF0];
	[tilespmem:s18+$0x1020 ss:$0x81] =	vst.msk $0xffff, v0;
	(pc) =	sbr.rel @p1 .LBB1_3-.Ltmp3, $4  }
0x37: {  	v0 =	vld [tilespmem:s21+$0x0];
	[tilespmem:s18+$0x0 ss:$0x81] =	vst.msk $0xffff, v1  }
0x38: {  	s18 =	sshra.s32 s22, $0x2;
	v1 =	vld [tilespmem:s21+$0xFFFFFFE0]  }
0x39: {  	s18 =	sadd.s32 s18, s19  }
0x3a: {  	s21 =	sadd.s32 $0x40, s21;
	[tilespmem:s18+$0x1830 ss:$0x81] =	vst.msk $0xffff, v3  }
.Ltmp4:
0x3b: {  	_ = 	snop;
	(pc) =	sbr.rel .LBB1_4-.Ltmp4, $1  }
0x3c: {  	_ =	sdelay $0x3  }
.LBB1_6:
0x3d: {  	_ =	sfence.sel $0x180000  }
0x3e: {  	s1 =	simm.s32 $0x1;
	[bflag:$0x0] =	sbarrier.arrive $0xFFFF  }
0x3f: {  	s31 =	simm.s32 $0x2;
	[sflag:s1] =	ssyncpa.u1 $0x1  }
0x40: {  	[sflag:s31] =	ssyncpa.u1 $0x1  }
0x41: {  	p0 =	sne.s32 s0, $0x0;
	_ =	strace $0x90000047  }
0x42: {  	s0 =	sadd.s32 @!p0 $0x100000, s4;
	[bflag:$0x2] =	sbarrier.arrive $0xFFFF  }
0x43: {  	[sflag:s0] =	ssyncadd.tile.s32 @!p0 $0x1;
	_ =	shalt  }
.Lfunc_end1:
_tile_overlayer_lowered:
.L_overlay_start_2:
0x44: {  	(tag) =	ssettag $0x2  }
0x45: {  	s0 =	rddreg [dreg:$0x0];
	s2 =	stileid.u32  }
0x46: {  	s1 =	rddreg [dreg:$0x1];
	p0 =	sne.s32 s2, $0x0  }
0x47: {  	s3 =	rddreg [dreg:$0x2];
	[bflag:$0x3] =	sbarrier.arrive $0xFFFF;
	s2 =	simm.s32 @!p0 $0x1C01  }
0x48: {  	[timem:s3], [sflag:s2] =	dma.local @!p0 [hbm:s0], s1  }
0x49: {  	s0 =	simm.s32 @!p0 $0x1  }
0x4a: {  	_ =	swait.ge @!p0 [sflag:s0], s1  }
0x4b: {  	s1 =	ssub.s32 @!p0 $0x0, s1;
	[sflag:s0] =	ssyncset.done @!p0 $0x0  }
0x4c: {  	[sflag:s0] =	ssyncadd.s32 @!p0 s1  }
0x4d: {  	[bflag:$0x3] =	sbarrier.arrive $0xFFFF  }
0x4e: {  	_ =	shalt  }

// kernel: sparse-core-data-format-call.cloned.1.call-start
scs
called_computation_lowered:
.L_overlay_start_0:
0x0: {  	s2 =	sld [smem:$0x3FD9]  }
0x1: {  	s3 =	sld [smem:$0x3FFE];
	_ =	sdelay $0x1  }
0x2: {  	s1 =	srdreg.scid  }
0x3: {  	s0 =	sand.u32 $0x1, s1  }
0x4: {  	s18 =	sshll.u32 s0, $0xA;
	s2 =	sadd.s32 s3, s2  }
0x5: {  	s2 =	sadd.s32 s2, s18  }
0x6: {  	[smem:$0x3FC4] =	sst s2  }
0x7: {  	_ = 	snop  }
0x8: {  	(tm) =	ssettm $0x1  }
0x9: {  	s19 =	sld [smem:$0x3FFB];
	_ =	sdelay $0x3  }
0xa: {  	_ =	strace s19  }
0xb: {  	s2 =	sld [smem:$0x3FFC];
	_ =	sdelay $0x3  }
0xc: {  	_ =	strace s2  }
0xd: {  	s2 =	sld [smem:$0x3FFD];
	_ =	sdelay $0x3  }
0xe: {  	_ =	strace s2  }
0xf: {  	_ =	strace $0x8FFFFFFF  }
0x10: {  	s20 =	sld [smem:$0x3FDB];
	_ =	sdelay $0x1  }
0x11: {  	s21 =	simm.s32 $_scs_section_size  }
0x12: {  	s4 =	simm.s32 $_size__tile_overlayer_lowered;
	s5 =	simm.s32 $_tile_overlayer_lowered  }
0x13: {  	s6 =	simm.s32 $0x1BFF;
	s22 =	sshll.u32 s5, $0x1;
	s3 =	sadd.s32 s21, s20  }
0x14: {  	s23 =	simm.s32 $0x0;
	s4 =	sshll.u32 s4, $0x1;
	s5 =	sadd.s32 s22, s3  }
0x15: {  	[timem:s23], [sflag:s6] =	dma.local [hbm:s5], s4  }
0x16: {  	_ =	swait.ge [sflag:s6], s4  }
0x17: {  	s4 =	ssub.s32 $0x0, s4;
	[sflag:s6] =	ssyncset.done $0x0  }
0x18: {  	[sflag:s6] =	ssyncadd.s32 s4;
	_ =	sdelay $0x1  }
0x19: {  	s24 =	simm.s32 $0x1B8B  }
0x1a: {  	_ =	swait.ge [sflag:s24], $0x1  }
0x1b: {  	[sflag:s24] =	ssyncset.done $0x0  }
0x1c: {  	[sflag:s24] =	ssyncadd.s32 $0xFFFFFFFF  }
0x1d: {  	s4 =	sld [smem:$0x0]  }
0x1e: {  	s5 =	sand.u32 $0xFFFFFFFE, s1  }
0x1f: {  	p0 =	sne.s32 s1, s5  }
0x20: {  	s5 =	sshll.u32 @p0 s5, $0xE  }
0x21: {  	s5 =	sadd.s32 @p0 $0x11B8D, s5;
	s6 =	sshll.u32 @p0 s4, $0x11  }
0x22: {  	s5 =	sor.u32 @p0 s6, s5  }
0x23: {  	[sflag:s5] =	ssyncadd.remote.s32 @p0 $0x1;
	_ =	sdelay $0x1  }
0x24: {  	s5 =	simm.s32 @p0 $0x1B8D  }
0x25: {  	_ =	swait.eq @p0 [sflag:s5], $0x1  }
0x26: {  	[sflag:s5] =	ssyncadd.s32 @p0 $0xFFFFFFFF  }
0x27: {  	s6 =	sshll.u32 @!p0 s1, $0xE  }
0x28: {  	s6 =	sor.u32 @!p0 $0x4000, s6;
	s5 =	simm.s32 @!p0 $0x1B8D  }
0x29: {  	s4 =	sshll.u32 @!p0 s4, $0x11;
	s6 =	sadd.s32 @!p0 $0x11B8D, s6;
	_ =	swait.eq @!p0 [sflag:s5], $0x1  }
0x2a: {  	s4 =	sor.u32 @!p0 s4, s6;
	[sflag:s5] =	ssyncadd.s32 @!p0 $0xFFFFFFFF  }
0x2b: {  	s26 =	simm.s32 $0x1B8E;
	s25 =	sld [smem:$0x3FFE];
	[sflag:s4] =	ssyncadd.remote.s32 @!p0 $0x1  }
0x2c: {  	s27 =	simm.s32 $execute0_lowered;
	[smem:$0x3FD2] =	sst s26  }
0x2d: {  	s5 =	sshll.u32 s27, $0x1;
	_ =	strace $0x80000049;
	[dreg:$0x1] =	wrdreg $0xFFFFFFFF  }
0x2e: {  	s28 =	simm.s32 $_size_execute0_lowered;
	s3 =	sadd.s32 s3, s5;
	[dreg:$0x0] =	wrdreg $0x0  }
0x2f: {  	s5 =	sshll.u32 s28, $0x1;
	[dreg:$0x2] =	wrdreg s3  }
0x30: {  	[dreg:$0x3] =	wrdreg s5  }
0x31: {  	[dreg:$0x4] =	wrdreg $0xC0  }
0x32: {  	_ =	task [dreg:s23], $0x5FFFF  }
0x33: {  	[dreg:$0x1] =	wrdreg $0xFFFFFFFF  }
0x34: {  	[dreg:$0x0] =	wrdreg $0x60  }
0x35: {  	[dreg:$0x2] =	wrdreg s25  }
0x36: {  	[dreg:$0x3] =	wrdreg $0x9  }
0x37: {  	_ =	task.clear_ibuf [dreg:s23], $0x4FFFF;
	_ =	strace $0x90000049  }
0x38: {  	s29 =	simm.s32 $0x9;
	_ =	strace $0x8000004B  }
0x39: {  	_ =	swait.ge [sflag:s29], $0x1  }
0x3a: {  	[sflag:s29] =	ssyncadd.s32 $0xFFFFFFFF  }
0x3b: {  	_ =	strace $0x9000004B  }
0x3c: {  	_ =	sfence  }
0x3d: {  	s30 =	sld [smem:$0x0];
	_ =	sdelay $0x2  }
0x3e: {  	s31 =	sshll.u32 s1, $0xD;
	s1 =	sshrl.u32 s1, $0x2  }
0x3f: {  	s4 =	sand.u32 $0x4000, s31;
	s1 =	sadd.s32 s1, s30  }
0x40: {  	s0 =	sor.u32 s4, s0;
	s1 =	sshll.u32 s1, $0x11  }
0x41: {  	s0 =	sor.u32 s1, s0  }
0x42: {  	s0 =	sadd.s32 $0x8F2B, s0  }
0x43: {  	[sflag:s0] =	ssyncadd.remote.s32 $0x1  }
0x44: {  	_ =	sfence.sel $0xFFFF  }
0x45: {  	[dreg:$0x0] =	wrdreg $0xFFFFFFFF;
	(pc) =	sbr.abs _section_cstart, $3  }
0x46: {  	[dreg:$0x1] =	wrdreg $0xFFFFFFFF  }
0x47: {  	_ =	task.clear_ibuf [dreg:s23], $0x2FFFF;
	_ =	strace $0x9FFFFFFF  }
0x48: {  	(tm) =	ssettm $0x7FFFFFFF  }
0x49: {  	_ =	shalt  }
tec
execute0_lowered:
.L_overlay_start_1:
0x0: {  	(tag) =	ssettag $0x1  }
0x1: {  	s0 =	stileid.u32  }
0x2: {  	s1 =	srdreg.scid;
	s5 =	rddreg [dreg:$0x0];
	s31 =	simm.s32 $0x2  }
0x3: {  	s14 =	simm.s32 $0x0;
	s2 =	sshll.u32 s0, $0x6;
	s1 =	sshll.u32 s1, $0xA  }
0x4: {  	s9 =	simm.s32 $0x8000;
	s15 =	simm.s32 $0x0;
	s1 =	sor.u32 s2, s1  }
0x5: {  	s16 =	simm.s32 $0x0;
	s10 =	simm.s32 $0x0;
	s1 =	sand.u32 $0x780, s1  }
0x6: {  	s13 =	simm.s32 $0x0;
	s2 =	sand.u32 $0x1, s0;
	s3 =	ssub.s32 $0x1000, s1  }
0x7: {  	s4 =	ssub.s32 $0x2, s2;
	s12 =	smov.u32 s2;
	s6 =	sand.u32 $0x780, s3  }
0x8: {  	s7 =	sshrl.u32 s4, $0x1;
	p0 =	sne.s32 s6, $0x0;
	s6 =	simm.s32 $0x1  }
0x9: {  	s4 =	sand.u32 $0x1, s4;
	s8 =	sshrl.u32 s3, $0xB;
	s6 =	simm.s32 @!p0 $0x0  }
.Ltmp0:
0xa: {  	s4 =	sadd.s32 s4, s7;
	s6 =	sadd.s32 s6, s8;
	(pc) =	sbr.rel .LBB1_1-.Ltmp0, $4  }
0xb: {  	s11 =	smov.u32 s1;
	s3 =	rddreg [dreg:$0x1];
	s7 =	smul.u32 s6, s4  }
0xc: {  	_ =	strace $0x8000004A;
	p0 =	por $0x0, $0x0;
	s6 =	simm.s32 $0x1  }
0xd: {  	s4 =	sadd.s32 $0x787800, s5;
	[sflag:s6] =	ssyncpa.u1 $0x0;
	s7 =	sshll.u32 s7, $0x6  }
0xe: {  	s5 =	sadd.s32 $0xF87800, s5;
	[sflag:s31] =	ssyncpa.u1 $0x0;
	s8 =	sor.u32 $0x1, s7  }
.LBB1_4:
0xf: {  	s19 =	sshll.u32 s15, $0x3  }
0x10: {  	s20 =	sand.u32 $0x78, s15;
	s16 =	sshll.u32 s16, $0x15;
	s30 =	sand.u32 $0x7E00, s15  }
0x11: {  	s14 =	sshll.u32 s14, $0xF;
	s19 =	sand.u32 $0xC00, s19;
	s16 =	sadd.s32 s5, s16  }
0x12: {  	[tilespmem:s18+$0x810 ss:$0x81] =	vst.msk $0xffff, v2;
	s31 =	sand.u32 $0x7, s15;
	s19 =	sor.u32 s20, s19;
	s16 =	sadd.s32 s30, s16  }
0x13: {  	[tilespmem:s18+$0x1020 ss:$0x81] =	vst.msk $0xffff, v0;
	s15 =	sshll.u32 s31, $0x12;
	s19 =	sshrl.u32 s19, $0x3;
	s14 =	sadd.s32 s14, s16  }
0x14: {  	[tilespmem:s18+$0x0 ss:$0x81] =	vst.msk $0xffff, v1;
	s15 =	sor.u32 $0x400, s15;
	s14 =	sadd.s32 s19, s14  }
0x15: {  	[hbm4b:s14+s15] =	stream.strided.scatter [tilespmem:s17], [sflag:$0x2], $0x2000, s9, s15, $0x20;
	[tilespmem:$0x8080] =	vst v63  }
.LBB1_5:
0x16: {  	s17 =	sadd.s32 $0x1, s10  }
0x17: {  	s14 =	sadd.s32 $0x800, s11;
	s18 =	smov.u32 s11;
	p2 =	sgt.s32 s17, $0x3F  }
0x18: {  	s18 =	smov.u32 @p2 s14  }
0x19: {  	s20 =	smov.u32 s12;
	s14 =	sadd.s32 $0x2, s12;
	p3 =	sgt.s32 s18, $0xFFF  }
0x1a: {  	s20 =	smov.u32 @p3 s14  }
0x1b: {  	s17 =	simm.s32 @p2 $0x0;
	p2 =	sgt.s32 s20, $0x1  }
0x1c: {  	p1 =	slt.u32 s13, $0x2;
	s20 =	smov.u32 @p2 s2;
	p2 =	sne.s32 s13, s8  }
.Ltmp1:
0x1d: {  	s19 =	simm.s32 @!p1 $0x2;
	(pc) =	sbr.rel @!p2 .LBB1_6-.Ltmp1, $4  }
0x1e: {  	s15 =	smov.u32 s11;
	s16 =	smov.u32 s12;
	_ =	swait.ge @!p1 [sflag:s19], $0x2000  }
0x1f: {  	p0 =	por !p0, !p0;
	[sflag:s19] =	ssyncset.done @!p1 $0x0;
	s18 =	smov.u32 @p3 s1  }
0x20: {  	s14 =	smov.u32 s10;
	[sflag:s19] =	ssyncadd.s32 @!p1 $0xFFFFE000;
	s10 =	smov.u32 s17  }
0x21: {  	s11 =	smov.u32 s18;
	s13 =	sadd.s32 $0x1, s13;
	s12 =	smov.u32 s20  }
.LBB1_1:
0x22: {  	p1 =	sge.u32 s13, s7;
	s31 =	sadd.s32 $0xFFFFFFFF, s13  }
0x23: {  	s17 =	sxor.u32 @!p1 $0xFFFFFFFF, s13;
	s18 =	sshll.u32 @!p1 s12, $0x16;
	s19 =	sshll.u32 @!p1 s11, $0xA  }
0x24: {  	s20 =	sshll.u32 @!p1 s10, $0x4;
	s17 =	sshll.u32 @!p1 s17, $0xD;
	s18 =	sadd.s32 @!p1 s4, s18  }
0x25: {  	s20 =	sand.u32 @!p1 $0x3F0, s20;
	s17 =	sand.u32 @!p1 $0x2000, s17;
	s18 =	sadd.s32 @!p1 s19, s18  }
0x26: {  	s19 =	simm.s32 @!p1 $0x40;
	s18 =	sadd.s32 @!p1 s20, s18;
	s20 =	simm.s32 @!p1 $0x2000  }
0x27: {  	[tilespmem:s17], [sflag:$0x1] =	stream.strided.gather @!p1 [hbm4b:s18+s19], $0x2000, s20, s19, $0x38;
	[tilespmem:$0x8080] =	vst v63  }
0x28: {  	p1 =	sge.u32 s31, s7  }
.Ltmp2:
0x29: {  	_ = 	snop;
	(pc) =	sbr.rel @p1 .LBB1_5-.Ltmp2, $1  }
0x2a: {  	_ =	sdelay $0x3  }
0x2b: {  	s17 =	simm.s32 $0x1  }
0x2c: {  	_ =	swait.ge [sflag:s6], $0x2000;
	s17 =	simm.s32 @!p0 $0x0  }
0x2d: {  	[sflag:s6] =	ssyncset.done $0x0;
	s18 =	sshll.u32 s17, $0xD  }
0x2e: {  	[sflag:s6] =	ssyncadd.s32 $0xFFFFE000;
	s21 =	sor.u32 $0x20, s18  }
0x2f: {  	s17 =	smul.u32 $0x8100, s17;
	v3 =	vld [tilespmem:s21+$0x10]  }
0x30: {  	s30 =	sand.u32 $0x1, s13;
	v2 =	vld [tilespmem:s21+$0xFFFFFFF0]  }
0x31: {  	s18 =	smul.u32 $0x8100, s30;
	s17 =	sshrl.u32 s17, $0x2;
	v0 =	vld [tilespmem:s21+$0x0]  }
0x32: {  	v1 =	vld [tilespmem:s21+$0xFFFFFFE0];
	s19 =	sor.u32 $0x4000, s17  }
0x33: {  	s31 =	sshrl.u32 s18, $0x2;
	s18 =	sadd.s32 $0x0, s19  }
0x34: {  	s20 =	simm.s32 $0x4;
	s21 =	sadd.s32 $0x40, s21;
	s17 =	sor.u32 $0x4000, s31;
	[tilespmem:s18+$0x1830 ss:$0x81] =	vst.msk $0xffff, v3  }
.LBB1_3:
0x35: {  	v3 =	vld [tilespmem:s21+$0x10];
	p1 =	sne.s32 s20, $0x1FC;
	[tilespmem:s18+$0x810 ss:$0x81] =	vst.msk $0xffff, v2;
	s22 =	smov.u32 s20;
	s20 =	sadd.s32 $0x4, s20  }
.Ltmp3:
0x36: {  	v2 =	vld [tilespmem:s21+$0xFFFFFFF0];
	[tilespmem:s18+$0x1020 ss:$0x81] =	vst.msk $0xffff, v0;
	(pc) =	sbr.rel @p1 .LBB1_3-.Ltmp3, $4  }
0x37: {  	v0 =	vld [tilespmem:s21+$0x0];
	[tilespmem:s18+$0x0 ss:$0x81] =	vst.msk $0xffff, v1  }
0x38: {  	s18 =	sshra.s32 s22, $0x2;
	v1 =	vld [tilespmem:s21+$0xFFFFFFE0]  }
0x39: {  	s18 =	sadd.s32 s18, s19  }
0x3a: {  	s21 =	sadd.s32 $0x40, s21;
	[tilespmem:s18+$0x1830 ss:$0x81] =	vst.msk $0xffff, v3  }
.Ltmp4:
0x3b: {  	_ = 	snop;
	(pc) =	sbr.rel .LBB1_4-.Ltmp4, $1  }
0x3c: {  	_ =	sdelay $0x3  }
.LBB1_6:
0x3d: {  	_ =	sfence.sel $0x180000  }
0x3e: {  	s1 =	simm.s32 $0x1;
	[bflag:$0x0] =	sbarrier.arrive $0xFFFF  }
0x3f: {  	s31 =	simm.s32 $0x2;
	[sflag:s1] =	ssyncpa.u1 $0x1  }
0x40: {  	[sflag:s31] =	ssyncpa.u1 $0x1  }
0x41: {  	p0 =	sne.s32 s0, $0x0;
	_ =	strace $0x9000004A  }
0x42: {  	s0 =	sadd.s32 @!p0 $0x100000, s3;
	[bflag:$0x2] =	sbarrier.arrive $0xFFFF  }
0x43: {  	[sflag:s0] =	ssyncadd.tile.s32 @!p0 $0x1;
	_ =	shalt  }
.Lfunc_end1:
_tile_overlayer_lowered:
.L_overlay_start_2:
0x44: {  	(tag) =	ssettag $0x2  }
0x45: {  	s0 =	rddreg [dreg:$0x0];
	s2 =	stileid.u32  }
0x46: {  	s1 =	rddreg [dreg:$0x1];
	p0 =	sne.s32 s2, $0x0  }
0x47: {  	s3 =	rddreg [dreg:$0x2];
	[bflag:$0x3] =	sbarrier.arrive $0xFFFF;
	s2 =	simm.s32 @!p0 $0x1C01  }
0x48: {  	[timem:s3], [sflag:s2] =	dma.local @!p0 [hbm:s0], s1  }
0x49: {  	s0 =	simm.s32 @!p0 $0x1  }
0x4a: {  	_ =	swait.ge @!p0 [sflag:s0], s1  }
0x4b: {  	s1 =	ssub.s32 @!p0 $0x0, s1;
	[sflag:s0] =	ssyncset.done @!p0 $0x0  }
0x4c: {  	[sflag:s0] =	ssyncadd.s32 @!p0 s1  }
0x4d: {  	[bflag:$0x3] =	sbarrier.arrive $0xFFFF  }
0x4e: {  	_ =	shalt  }

</sc_bundles>
